<compile_context>
chip_gen: v7x
topology: tpu7x:2x2x1
jax: 0.10.2.dev20260603
libtpu: 0.0.44.dev20260713+nightly
codegen_flags: <defaults>
</compile_context>

<pallas_src>
import jax
import jax.numpy as jnp
from jax import lax
from jax.experimental import pallas as pl
from jax.experimental.pallas import tpu as pltpu
from jax.experimental.pallas import tpu_sc as plsc

N_SEG = 10000
N_TOK = 320000
D = 128

NC = 2
NS = 16
NW = NC * NS

TOK_PER_TILE = N_TOK // NW
CHUNK = 80
N_CHUNK = TOK_PER_TILE // CHUNK
NBUF = 4
NGROUP = (N_CHUNK - 1) // NBUF
ROWS_PER_TILE = 624
TAIL_BASE = NS * ROWS_PER_TILE
TAIL_ROWS = N_SEG - TAIL_BASE
ZROWS = 64


def _sc_scatter_kernel(u_hbm, v_hbm, b_hbm, p_hbm, acc,
                       v0, v1, v2, v3, i0, i1, i2, i3, zbuf,
                       lsem0, lsem1, lsem2, lsem3,
                       ssem0, ssem1, ssem2, ssem3):
    vbufs = (v0, v1, v2, v3)
    ibufs = (i0, i1, i2, i3)
    lsems = (lsem0, lsem1, lsem2, lsem3)
    ssems = (ssem0, ssem1, ssem2, ssem3)

    cid = lax.axis_index("c")
    sid = lax.axis_index("s")
    wid = cid * NS + sid
    tok0 = wid * TOK_PER_TILE

    def start_load(c, b):
        base = tok0 + c * CHUNK
        pltpu.async_copy(b_hbm.at[pl.ds(base, CHUNK)], ibufs[b], lsems[b])
        pltpu.async_copy(v_hbm.at[pl.ds(base, CHUNK)], vbufs[b], lsems[b])

    def wait_load(c, b):
        base = tok0 + c * CHUNK
        pltpu.make_async_copy(b_hbm.at[pl.ds(base, CHUNK)], ibufs[b],
                              lsems[b]).wait()
        pltpu.make_async_copy(v_hbm.at[pl.ds(base, CHUNK)], vbufs[b],
                              lsems[b]).wait()

    def fire_scatter(b):
        pltpu.async_copy(vbufs[b], acc.at[ibufs[b]], ssems[b], add=True)

    def wait_scatter(b):
        pltpu.make_async_copy(vbufs[b], acc.at[ibufs[b]], ssems[b]).wait()

    start_load(0, 0)
    start_load(1, 1)
    start_load(2, 2)

    @pl.when(cid == 0)
    def _():
        pltpu.sync_copy(u_hbm.at[pl.ds(sid * ROWS_PER_TILE, ROWS_PER_TILE)],
                        acc.at[pl.ds(sid * ROWS_PER_TILE, ROWS_PER_TILE)])

        @pl.when(sid == 0)
        def _():
            pltpu.sync_copy(u_hbm.at[pl.ds(TAIL_BASE, TAIL_ROWS)],
                            acc.at[pl.ds(TAIL_BASE, TAIL_ROWS)])

    @pl.when(cid != 0)
    def _():
        def zero_body(i, _):
            r = i // (D // 16)
            g = i % (D // 16)
            zbuf[r, pl.ds(g * 16, 16)] = jnp.zeros((16,), jnp.float32)
            return 0
        lax.fori_loop(0, ZROWS * (D // 16), zero_body, 0)
        for j in range(ROWS_PER_TILE // ZROWS):
            pltpu.sync_copy(zbuf,
                            acc.at[pl.ds(sid * ROWS_PER_TILE + j * ZROWS, ZROWS)])
        rem = ROWS_PER_TILE - (ROWS_PER_TILE // ZROWS) * ZROWS
        pltpu.sync_copy(zbuf.at[pl.ds(0, rem)],
                        acc.at[pl.ds(sid * ROWS_PER_TILE + ROWS_PER_TILE - rem,
                                     rem)])

        @pl.when(sid == 0)
        def _():
            pltpu.sync_copy(zbuf.at[pl.ds(0, TAIL_ROWS)],
                            acc.at[pl.ds(TAIL_BASE, TAIL_ROWS)])

    plsc.subcore_barrier()

    RING = NGROUP * NBUF

    def step_body(g, _):
        for s in range(NBUF):
            t = g * NBUF + s
            wait_load(t, s)
            fire_scatter(s)
            bn = (s + 3) % NBUF

            @pl.when(t >= 1)
            def _():
                wait_scatter(bn)

            @pl.when(t + 3 < RING)
            def _():
                start_load(t + 3, bn)
        return 0
    lax.fori_loop(0, NGROUP, step_body, 0)

    wait_scatter((RING - 1) % NBUF)

    base = tok0 + RING * CHUNK
    pltpu.sync_copy(b_hbm.at[pl.ds(base, CHUNK)], i0)
    pltpu.sync_copy(v_hbm.at[pl.ds(base, CHUNK)], v0)
    pltpu.sync_copy(v0, acc.at[i0], add=True)

    plsc.subcore_barrier()

    pltpu.sync_copy(acc.at[pl.ds(sid * ROWS_PER_TILE, ROWS_PER_TILE)],
                    p_hbm.at[cid, pl.ds(sid * ROWS_PER_TILE, ROWS_PER_TILE)])

    @pl.when(sid == 0)
    def _():
        pltpu.sync_copy(acc.at[pl.ds(TAIL_BASE, TAIL_ROWS)],
                        p_hbm.at[cid, pl.ds(TAIL_BASE, TAIL_ROWS)])


def _combine_body(p_ref, o_ref):
    o_ref[...] = p_ref[0] + p_ref[1]


def kernel(u, v, batch):
    batch = batch.astype(jnp.int32)

    scatter = pl.kernel(
        _sc_scatter_kernel,
        out_type=jax.ShapeDtypeStruct((NC, N_SEG, D), jnp.float32),
        mesh=plsc.VectorSubcoreMesh(core_axis_name="c", subcore_axis_name="s"),
        scratch_types=(
            [pltpu.VMEM_SHARED((N_SEG, D), jnp.float32)]
            + [pltpu.VMEM((CHUNK, D), jnp.float32) for _ in range(NBUF)]
            + [pltpu.VMEM((CHUNK,), jnp.int32) for _ in range(NBUF)]
            + [pltpu.VMEM((ZROWS, D), jnp.float32)]
            + [pltpu.SemaphoreType.DMA for _ in range(2 * NBUF)]
        ),
    )
    p = scatter(u, v, batch)

    BLK = 5000
    return pl.pallas_call(
        _combine_body,
        grid=(N_SEG // BLK,),
        in_specs=[pl.BlockSpec((NC, BLK, D), lambda i: (0, i, 0))],
        out_specs=pl.BlockSpec((BLK, D), lambda i: (i, 0)),
        out_shape=jax.ShapeDtypeStruct((N_SEG, D), jnp.float32),
    )(p)

# --- scband reference (transcript-rebuilt; emitter-appended) ---
"""Pipeline reference for scband-update-u-50448685859056 (READ-ONLY COPY).

The authoritative reference and input builder live on the scoring server;
editing this copy changes nothing except your own understanding.
"""

import jax, jax.numpy as jnp
import numpy as np

N_SEG = 10000
N_TOK = 320000
D = 128

def setup_inputs(seed: int = 0) -> dict:
    key = jax.random.key(seed)
    k1, k2, k3 = jax.random.split(key, 3)
    u = jax.random.normal(k1, (N_SEG, D), dtype=jnp.float32)
    v = jax.random.normal(k2, (N_TOK, D), dtype=jnp.float32)
    batch = jnp.sort(jax.random.randint(k3, (N_TOK,), 0, N_SEG, dtype=jnp.int64))
    return {"u": u, "v": v, "batch": batch}

def reference(u, v, batch):
    # UpdateU.forward: u += scatter(v, batch, dim=0)  (scatter-add over segment ids)
    agg = jax.ops.segment_sum(v, batch, num_segments=u.shape[0])
    return u + agg

if __name__ == "__main__":
    import jax
    _d = setup_inputs()
    print(jax.jit(kernel)(*tuple(_d.values())))

</pallas_src>

<mosaic_0001>
#map = affine_map<(d0, d1) -> (0, 0)>
#map1 = affine_map<(d0, d1) -> (0)>
#map2 = affine_map<(d0, d1) -> (0, 0, 0)>
module attributes {stable_mosaic.version = 14 : i64} {
  func.func @_sc_scatter_kernel(%arg0: i32, %arg1: i32, %arg2: memref<10000x128xf32, #tpu.memory_space<hbm>>, %arg3: memref<320000x128xf32, #tpu.memory_space<hbm>>, %arg4: memref<320000xi32, #tpu.memory_space<hbm>>, %arg5: memref<2x10000x128xf32, #tpu.memory_space<hbm>>, %arg6: memref<10000x128xf32, #tpu.memory_space<vmem_shared>>, %arg7: memref<80x128xf32, #tpu.memory_space<vmem>>, %arg8: memref<80x128xf32, #tpu.memory_space<vmem>>, %arg9: memref<80x128xf32, #tpu.memory_space<vmem>>, %arg10: memref<80x128xf32, #tpu.memory_space<vmem>>, %arg11: memref<80xi32, #tpu.memory_space<vmem>>, %arg12: memref<80xi32, #tpu.memory_space<vmem>>, %arg13: memref<80xi32, #tpu.memory_space<vmem>>, %arg14: memref<80xi32, #tpu.memory_space<vmem>>, %arg15: memref<64x128xf32, #tpu.memory_space<vmem>>, %arg16: memref<!tpu.dma_semaphore, #tpu.memory_space<semaphore_mem>>, %arg17: memref<!tpu.dma_semaphore, #tpu.memory_space<semaphore_mem>>, %arg18: memref<!tpu.dma_semaphore, #tpu.memory_space<semaphore_mem>>, %arg19: memref<!tpu.dma_semaphore, #tpu.memory_space<semaphore_mem>>, %arg20: memref<!tpu.dma_semaphore, #tpu.memory_space<semaphore_mem>>, %arg21: memref<!tpu.dma_semaphore, #tpu.memory_space<semaphore_mem>>, %arg22: memref<!tpu.dma_semaphore, #tpu.memory_space<semaphore_mem>>, %arg23: memref<!tpu.dma_semaphore, #tpu.memory_space<semaphore_mem>>) attributes {dimension_semantics = [#tpu.dimension_semantics<core_parallel>, #tpu.dimension_semantics<subcore_parallel>], iteration_bounds = array<i64: 2, 16>, scalar_prefetch = 0 : i64, scratch_operands = 18 : i64, tpu.core_type = #tpu.core_type<sc_vector_subcore>, window_params = [{transform_indices = #map}, {transform_indices = #map}, {transform_indices = #map1}, {transform_indices = #map2}]} {
    %mul3A = arith.constant 16 : i32
    %mul3A_0 = arith.muli %arg0, %mul3A : i32
    %add3A = arith.addi %mul3A_0, %arg1 : i32
    %mul3A_1 = arith.constant 10000 : i32
    %mul3A_2 = arith.muli %add3A, %mul3A_1 : i32
    %add3A_3 = arith.constant 0 : i32
    %add3A_4 = arith.addi %mul3A_2, %add3A_3 : i32
    %dma_start3A = tpu.memref_slice %arg4[%add3A_4] : memref<320000xi32, #tpu.memory_space<hbm>> -> memref<80xi32, #tpu.memory_space<hbm>>
    %dma_start3A_5 = tpu.memref_slice %arg4[%add3A_4] : memref<320000xi32, #tpu.memory_space<hbm>> -> memref<80xi32, #tpu.memory_space<hbm>>
    tpu.enqueue_dma source(%dma_start3A_5 : memref<80xi32, #tpu.memory_space<hbm>>) target(%arg11 : memref<80xi32, #tpu.memory_space<vmem>>) target_semaphore(%arg16 : memref<!tpu.dma_semaphore, #tpu.memory_space<semaphore_mem>>)
    %dma_start3A_6 = arith.constant 0 : i32
    %dma_start3A_7 = tpu.memref_slice %arg3[%add3A_4, %dma_start3A_6] : memref<320000x128xf32, #tpu.memory_space<hbm>> -> memref<80x128xf32, #tpu.memory_space<hbm>>
    %dma_start3A_8 = arith.constant 0 : i32
    %dma_start3A_9 = tpu.memref_slice %arg3[%add3A_4, %dma_start3A_8] : memref<320000x128xf32, #tpu.memory_space<hbm>> -> memref<80x128xf32, #tpu.memory_space<hbm>>
    tpu.enqueue_dma source(%dma_start3A_9 : memref<80x128xf32, #tpu.memory_space<hbm>>) target(%arg7 : memref<80x128xf32, #tpu.memory_space<vmem>>) target_semaphore(%arg16 : memref<!tpu.dma_semaphore, #tpu.memory_space<semaphore_mem>>)
    %add3A_10 = arith.constant 80 : i32
    %add3A_11 = arith.addi %mul3A_2, %add3A_10 : i32
    %dma_start3A_12 = tpu.memref_slice %arg4[%add3A_11] : memref<320000xi32, #tpu.memory_space<hbm>> -> memref<80xi32, #tpu.memory_space<hbm>>
    %dma_start3A_13 = tpu.memref_slice %arg4[%add3A_11] : memref<320000xi32, #tpu.memory_space<hbm>> -> memref<80xi32, #tpu.memory_space<hbm>>
    tpu.enqueue_dma source(%dma_start3A_13 : memref<80xi32, #tpu.memory_space<hbm>>) target(%arg12 : memref<80xi32, #tpu.memory_space<vmem>>) target_semaphore(%arg17 : memref<!tpu.dma_semaphore, #tpu.memory_space<semaphore_mem>>)
    %dma_start3A_14 = arith.constant 0 : i32
    %dma_start3A_15 = tpu.memref_slice %arg3[%add3A_11, %dma_start3A_14] : memref<320000x128xf32, #tpu.memory_space<hbm>> -> memref<80x128xf32, #tpu.memory_space<hbm>>
    %dma_start3A_16 = arith.constant 0 : i32
    %dma_start3A_17 = tpu.memref_slice %arg3[%add3A_11, %dma_start3A_16] : memref<320000x128xf32, #tpu.memory_space<hbm>> -> memref<80x128xf32, #tpu.memory_space<hbm>>
    tpu.enqueue_dma source(%dma_start3A_17 : memref<80x128xf32, #tpu.memory_space<hbm>>) target(%arg8 : memref<80x128xf32, #tpu.memory_space<vmem>>) target_semaphore(%arg17 : memref<!tpu.dma_semaphore, #tpu.memory_space<semaphore_mem>>)
    %add3A_18 = arith.constant 160 : i32
    %add3A_19 = arith.addi %mul3A_2, %add3A_18 : i32
    %dma_start3A_20 = tpu.memref_slice %arg4[%add3A_19] : memref<320000xi32, #tpu.memory_space<hbm>> -> memref<80xi32, #tpu.memory_space<hbm>>
    %dma_start3A_21 = tpu.memref_slice %arg4[%add3A_19] : memref<320000xi32, #tpu.memory_space<hbm>> -> memref<80xi32, #tpu.memory_space<hbm>>
    tpu.enqueue_dma source(%dma_start3A_21 : memref<80xi32, #tpu.memory_space<hbm>>) target(%arg13 : memref<80xi32, #tpu.memory_space<vmem>>) target_semaphore(%arg18 : memref<!tpu.dma_semaphore, #tpu.memory_space<semaphore_mem>>)
    %dma_start3A_22 = arith.constant 0 : i32
    %dma_start3A_23 = tpu.memref_slice %arg3[%add3A_19, %dma_start3A_22] : memref<320000x128xf32, #tpu.memory_space<hbm>> -> memref<80x128xf32, #tpu.memory_space<hbm>>
    %dma_start3A_24 = arith.constant 0 : i32
    %dma_start3A_25 = tpu.memref_slice %arg3[%add3A_19, %dma_start3A_24] : memref<320000x128xf32, #tpu.memory_space<hbm>> -> memref<80x128xf32, #tpu.memory_space<hbm>>
    tpu.enqueue_dma source(%dma_start3A_25 : memref<80x128xf32, #tpu.memory_space<hbm>>) target(%arg9 : memref<80x128xf32, #tpu.memory_space<vmem>>) target_semaphore(%arg18 : memref<!tpu.dma_semaphore, #tpu.memory_space<semaphore_mem>>)
    %eq3A = arith.constant 0 : i32
    %eq3A_26 = arith.cmpi eq, %arg0, %eq3A : i32
    %convert_element_type3A = arith.extui %eq3A_26 : i1 to i32
    %cond3A = arith.constant 0 : i32
    %cond3A_27 = arith.cmpi ne, %convert_element_type3A, %cond3A : i32
    scf.if %cond3A_27 {
      %mul3A_52 = arith.constant 624 : i32
      %mul3A_53 = arith.muli %arg1, %mul3A_52 : i32
      %mul3A_54 = arith.constant 624 : i32
      %mul3A_55 = arith.muli %arg1, %mul3A_54 : i32
      "tpu.region"() ({
        %run_scoped3A = tpu.sem_alloc : memref<!tpu.dma_semaphore, #tpu.memory_space<semaphore_mem>>
        %dma_start3A_61 = arith.constant 0 : i32
        %dma_start3A_62 = tpu.memref_slice %arg6[%mul3A_55, %dma_start3A_61] : memref<10000x128xf32, #tpu.memory_space<vmem_shared>> -> memref<624x128xf32, #tpu.memory_space<vmem_shared>>
        %dma_start3A_63 = arith.constant 0 : i32
        %dma_start3A_64 = tpu.memref_slice %arg2[%mul3A_53, %dma_start3A_63] : memref<10000x128xf32, #tpu.memory_space<hbm>> -> memref<624x128xf32, #tpu.memory_space<hbm>>
        tpu.enqueue_dma source(%dma_start3A_64 : memref<624x128xf32, #tpu.memory_space<hbm>>) target(%dma_start3A_62 : memref<624x128xf32, #tpu.memory_space<vmem_shared>>) target_semaphore(%run_scoped3A : memref<!tpu.dma_semaphore, #tpu.memory_space<semaphore_mem>>)
        %dma_wait3A_65 = arith.constant 0 : i32
        %dma_wait3A_66 = tpu.memref_slice %arg6[%mul3A_55, %dma_wait3A_65] : memref<10000x128xf32, #tpu.memory_space<vmem_shared>> -> memref<624x128xf32, #tpu.memory_space<vmem_shared>>
        %dma_wait3A_67 = arith.constant 0 : i32
        %dma_wait3A_68 = tpu.memref_slice %arg2[%mul3A_53, %dma_wait3A_67] : memref<10000x128xf32, #tpu.memory_space<hbm>> -> memref<624x128xf32, #tpu.memory_space<hbm>>
        tpu.wait_dma2 semaphore(%run_scoped3A : memref<!tpu.dma_semaphore, #tpu.memory_space<semaphore_mem>>) src(%dma_wait3A_68 : memref<624x128xf32, #tpu.memory_space<hbm>>) dst(%dma_wait3A_66 : memref<624x128xf32, #tpu.memory_space<vmem_shared>>)
        tpu.yield
      }) : () -> ()
      %eq3A_56 = arith.constant 0 : i32
      %eq3A_57 = arith.cmpi eq, %arg1, %eq3A_56 : i32
      %convert_element_type3A_58 = arith.extui %eq3A_57 : i1 to i32
      %cond3A_59 = arith.constant 0 : i32
      %cond3A_60 = arith.cmpi ne, %convert_element_type3A_58, %cond3A_59 : i32
      scf.if %cond3A_60 {
        "tpu.region"() ({
          %run_scoped3A = tpu.sem_alloc : memref<!tpu.dma_semaphore, #tpu.memory_space<semaphore_mem>>
          %dma_start3A_61 = arith.constant 9984 : i32
          %dma_start3A_62 = arith.constant 0 : i32
          %dma_start3A_63 = tpu.memref_slice %arg6[%dma_start3A_61, %dma_start3A_62] : memref<10000x128xf32, #tpu.memory_space<vmem_shared>> -> memref<16x128xf32, #tpu.memory_space<vmem_shared>>
          %dma_start3A_64 = arith.constant 9984 : i32
          %dma_start3A_65 = arith.constant 0 : i32
          %dma_start3A_66 = tpu.memref_slice %arg2[%dma_start3A_64, %dma_start3A_65] : memref<10000x128xf32, #tpu.memory_space<hbm>> -> memref<16x128xf32, #tpu.memory_space<hbm>>
          tpu.enqueue_dma source(%dma_start3A_66 : memref<16x128xf32, #tpu.memory_space<hbm>>) target(%dma_start3A_63 : memref<16x128xf32, #tpu.memory_space<vmem_shared>>) target_semaphore(%run_scoped3A : memref<!tpu.dma_semaphore, #tpu.memory_space<semaphore_mem>>)
          %dma_wait3A_67 = arith.constant 9984 : i32
          %dma_wait3A_68 = arith.constant 0 : i32
          %dma_wait3A_69 = tpu.memref_slice %arg6[%dma_wait3A_67, %dma_wait3A_68] : memref<10000x128xf32, #tpu.memory_space<vmem_shared>> -> memref<16x128xf32, #tpu.memory_space<vmem_shared>>
          %dma_wait3A_70 = arith.constant 9984 : i32
          %dma_wait3A_71 = arith.constant 0 : i32
          %dma_wait3A_72 = tpu.memref_slice %arg2[%dma_wait3A_70, %dma_wait3A_71] : memref<10000x128xf32, #tpu.memory_space<hbm>> -> memref<16x128xf32, #tpu.memory_space<hbm>>
          tpu.wait_dma2 semaphore(%run_scoped3A : memref<!tpu.dma_semaphore, #tpu.memory_space<semaphore_mem>>) src(%dma_wait3A_72 : memref<16x128xf32, #tpu.memory_space<hbm>>) dst(%dma_wait3A_69 : memref<16x128xf32, #tpu.memory_space<vmem_shared>>)
          tpu.yield
        }) : () -> ()
      } else {
      }
    } else {
    }
    %ne3A = arith.constant 0 : i32
    %ne3A_28 = arith.cmpi ne, %arg0, %ne3A : i32
    %convert_element_type3A_29 = arith.extui %ne3A_28 : i1 to i32
    %cond3A_30 = arith.constant 0 : i32
    %cond3A_31 = arith.cmpi ne, %convert_element_type3A_29, %cond3A_30 : i32
    scf.if %cond3A_31 {
      %scan3A_52 = arith.constant 0 : i32
      %scan3A_53 = arith.constant 0 : i32
      %scan3A_54 = arith.constant 512 : i32
      %scan3A_55 = arith.addi %scan3A_53, %scan3A_54 : i32
      %scan3A_56 = arith.constant 1 : i32
      %scan3A_57 = scf.for %scan3A_105 = %scan3A_53 to %scan3A_55 step %scan3A_56 iter_args(%scan3A_106 = %scan3A_52) -> (i32)  : i32 {
        %jit3A = arith.constant 8 : i32
        %div3A = arith.divsi %scan3A_105, %jit3A : i32
        %sign3A = arith.constant 0 : i32
        %sign3A_107 = arith.cmpi sgt, %scan3A_105, %sign3A : i32
        %sign3A_108 = arith.extui %sign3A_107 : i1 to i32
        %sign3A_109 = arith.constant 0 : i32
        %sign3A_110 = arith.cmpi slt, %scan3A_105, %sign3A_109 : i32
        %sign3A_111 = arith.extui %sign3A_110 : i1 to i32
        %sign3A_112 = arith.subi %sign3A_108, %sign3A_111 : i32
        %sign3A_113 = arith.constant 0 : i32
        %sign3A_114 = arith.cmpi sgt, %jit3A, %sign3A_113 : i32
        %sign3A_115 = arith.extui %sign3A_114 : i1 to i32
        %sign3A_116 = arith.constant 0 : i32
        %sign3A_117 = arith.cmpi slt, %jit3A, %sign3A_116 : i32
        %sign3A_118 = arith.extui %sign3A_117 : i1 to i32
        %sign3A_119 = arith.subi %sign3A_115, %sign3A_118 : i32
        %ne3A_120 = arith.cmpi ne, %sign3A_112, %sign3A_119 : i32
        %rem3A = arith.remsi %scan3A_105, %jit3A : i32
        %ne3A_121 = arith.constant 0 : i32
        %ne3A_122 = arith.cmpi ne, %rem3A, %ne3A_121 : i32
        %and3A = arith.andi %ne3A_120, %ne3A_122 : i1
        %sub3A_123 = arith.constant 1 : i32
        %sub3A_124 = arith.subi %div3A, %sub3A_123 : i32
        %select_n3A = arith.select %and3A, %sub3A_124, %div3A : i32
        %jit3A_125 = arith.constant 8 : i32
        %eq3A_126 = arith.constant 0 : i32
        %eq3A_127 = arith.cmpi eq, %jit3A_125, %eq3A_126 : i32
        %jit3A_128 = arith.constant 1 : i32
        %select_n3A_129 = arith.select %eq3A_127, %jit3A_128, %jit3A_125 : i32
        %rem3A_130 = arith.remsi %scan3A_105, %select_n3A_129 : i32
        %ne3A_131 = arith.constant 0 : i32
        %ne3A_132 = arith.cmpi ne, %rem3A_130, %ne3A_131 : i32
        %lt3A = arith.constant 0 : i32
        %lt3A_133 = arith.cmpi slt, %rem3A_130, %lt3A : i32
        %lt3A_134 = arith.constant 0 : i32
        %lt3A_135 = arith.cmpi slt, %select_n3A_129, %lt3A_134 : i32
        %ne3A_136 = arith.xori %lt3A_133, %lt3A_135 : i1
        %and3A_137 = arith.andi %ne3A_136, %ne3A_132 : i1
        %add3A_138 = arith.addi %rem3A_130, %select_n3A_129 : i32
        %select_n3A_139 = arith.select %and3A_137, %add3A_138, %rem3A_130 : i32
        %broadcast_in_dim3A = arith.constant 0.000000e+00 : f32
        %broadcast_in_dim3A_140 = vector.broadcast %broadcast_in_dim3A : f32 to vector<16xf32>
        %mul3A_141 = arith.constant 16 : i32
        %mul3A_142 = arith.muli %select_n3A_139, %mul3A_141 : i32
        %swap3A = arith.index_cast %select_n3A : i32 to index
        %swap3A_143 = arith.index_cast %mul3A_142 : i32 to index
        %swap3A_144 = tpu.vector_load %arg15[%swap3A, %swap3A_143] {strides = array<i32>} : memref<64x128xf32, #tpu.memory_space<vmem>>, vector<1x16xf32>,
        %swap3A_145 = vector.shape_cast %swap3A_144 : vector<1x16xf32> to vector<16xf32>
        %swap3A_146 = vector.shape_cast %broadcast_in_dim3A_140 : vector<16xf32> to vector<1x16xf32>
        tpu.vector_store %arg15[%swap3A, %swap3A_143], %swap3A_146 {strides = array<i32>} : memref<64x128xf32, #tpu.memory_space<vmem>>, vector<1x16xf32>,
        %scan3A_147 = arith.constant 0 : i32
        scf.yield %scan3A_147 : i32
      }
      %scan3A_58 = arith.constant 512 : i32
      %mul3A_59 = arith.constant 624 : i32
      %mul3A_60 = arith.muli %arg1, %mul3A_59 : i32
      %add3A_61 = arith.constant 0 : i32
      %add3A_62 = arith.addi %mul3A_60, %add3A_61 : i32
      "tpu.region"() ({
        %run_scoped3A = tpu.sem_alloc : memref<!tpu.dma_semaphore, #tpu.memory_space<semaphore_mem>>
        %dma_start3A_105 = arith.constant 0 : i32
        %dma_start3A_106 = tpu.memref_slice %arg6[%add3A_62, %dma_start3A_105] : memref<10000x128xf32, #tpu.memory_space<vmem_shared>> -> memref<64x128xf32, #tpu.memory_space<vmem_shared>>
        %dma_start3A_107 = arith.constant 0 : i32
        %dma_start3A_108 = tpu.memref_slice %arg6[%add3A_62, %dma_start3A_107] : memref<10000x128xf32, #tpu.memory_space<vmem_shared>> -> memref<64x128xf32, #tpu.memory_space<vmem_shared>>
        tpu.enqueue_dma source(%arg15 : memref<64x128xf32, #tpu.memory_space<vmem>>) target(%dma_start3A_108 : memref<64x128xf32, #tpu.memory_space<vmem_shared>>) target_semaphore(%run_scoped3A : memref<!tpu.dma_semaphore, #tpu.memory_space<semaphore_mem>>)
        %dma_wait3A_109 = arith.constant 0 : i32
        %dma_wait3A_110 = tpu.memref_slice %arg6[%add3A_62, %dma_wait3A_109] : memref<10000x128xf32, #tpu.memory_space<vmem_shared>> -> memref<64x128xf32, #tpu.memory_space<vmem_shared>>
        %dma_wait3A_111 = arith.constant 0 : i32
        %dma_wait3A_112 = tpu.memref_slice %arg6[%add3A_62, %dma_wait3A_111] : memref<10000x128xf32, #tpu.memory_space<vmem_shared>> -> memref<64x128xf32, #tpu.memory_space<vmem_shared>>
        tpu.wait_dma2 semaphore(%run_scoped3A : memref<!tpu.dma_semaphore, #tpu.memory_space<semaphore_mem>>) src(%arg15 : memref<64x128xf32, #tpu.memory_space<vmem>>) dst(%dma_wait3A_112 : memref<64x128xf32, #tpu.memory_space<vmem_shared>>)
        tpu.yield
      }) : () -> ()
      %mul3A_63 = arith.constant 624 : i32
      %mul3A_64 = arith.muli %arg1, %mul3A_63 : i32
      %add3A_65 = arith.constant 64 : i32
      %add3A_66 = arith.addi %mul3A_64, %add3A_65 : i32
      "tpu.region"() ({
        %run_scoped3A = tpu.sem_alloc : memref<!tpu.dma_semaphore, #tpu.memory_space<semaphore_mem>>
        %dma_start3A_105 = arith.constant 0 : i32
        %dma_start3A_106 = tpu.memref_slice %arg6[%add3A_66, %dma_start3A_105] : memref<10000x128xf32, #tpu.memory_space<vmem_shared>> -> memref<64x128xf32, #tpu.memory_space<vmem_shared>>
        %dma_start3A_107 = arith.constant 0 : i32
        %dma_start3A_108 = tpu.memref_slice %arg6[%add3A_66, %dma_start3A_107] : memref<10000x128xf32, #tpu.memory_space<vmem_shared>> -> memref<64x128xf32, #tpu.memory_space<vmem_shared>>
        tpu.enqueue_dma source(%arg15 : memref<64x128xf32, #tpu.memory_space<vmem>>) target(%dma_start3A_108 : memref<64x128xf32, #tpu.memory_space<vmem_shared>>) target_semaphore(%run_scoped3A : memref<!tpu.dma_semaphore, #tpu.memory_space<semaphore_mem>>)
        %dma_wait3A_109 = arith.constant 0 : i32
        %dma_wait3A_110 = tpu.memref_slice %arg6[%add3A_66, %dma_wait3A_109] : memref<10000x128xf32, #tpu.memory_space<vmem_shared>> -> memref<64x128xf32, #tpu.memory_space<vmem_shared>>
        %dma_wait3A_111 = arith.constant 0 : i32
        %dma_wait3A_112 = tpu.memref_slice %arg6[%add3A_66, %dma_wait3A_111] : memref<10000x128xf32, #tpu.memory_space<vmem_shared>> -> memref<64x128xf32, #tpu.memory_space<vmem_shared>>
        tpu.wait_dma2 semaphore(%run_scoped3A : memref<!tpu.dma_semaphore, #tpu.memory_space<semaphore_mem>>) src(%arg15 : memref<64x128xf32, #tpu.memory_space<vmem>>) dst(%dma_wait3A_112 : memref<64x128xf32, #tpu.memory_space<vmem_shared>>)
        tpu.yield
      }) : () -> ()
      %mul3A_67 = arith.constant 624 : i32
      %mul3A_68 = arith.muli %arg1, %mul3A_67 : i32
      %add3A_69 = arith.constant 128 : i32
      %add3A_70 = arith.addi %mul3A_68, %add3A_69 : i32
      "tpu.region"() ({
        %run_scoped3A = tpu.sem_alloc : memref<!tpu.dma_semaphore, #tpu.memory_space<semaphore_mem>>
        %dma_start3A_105 = arith.constant 0 : i32
        %dma_start3A_106 = tpu.memref_slice %arg6[%add3A_70, %dma_start3A_105] : memref<10000x128xf32, #tpu.memory_space<vmem_shared>> -> memref<64x128xf32, #tpu.memory_space<vmem_shared>>
        %dma_start3A_107 = arith.constant 0 : i32
        %dma_start3A_108 = tpu.memref_slice %arg6[%add3A_70, %dma_start3A_107] : memref<10000x128xf32, #tpu.memory_space<vmem_shared>> -> memref<64x128xf32, #tpu.memory_space<vmem_shared>>
        tpu.enqueue_dma source(%arg15 : memref<64x128xf32, #tpu.memory_space<vmem>>) target(%dma_start3A_108 : memref<64x128xf32, #tpu.memory_space<vmem_shared>>) target_semaphore(%run_scoped3A : memref<!tpu.dma_semaphore, #tpu.memory_space<semaphore_mem>>)
        %dma_wait3A_109 = arith.constant 0 : i32
        %dma_wait3A_110 = tpu.memref_slice %arg6[%add3A_70, %dma_wait3A_109] : memref<10000x128xf32, #tpu.memory_space<vmem_shared>> -> memref<64x128xf32, #tpu.memory_space<vmem_shared>>
        %dma_wait3A_111 = arith.constant 0 : i32
        %dma_wait3A_112 = tpu.memref_slice %arg6[%add3A_70, %dma_wait3A_111] : memref<10000x128xf32, #tpu.memory_space<vmem_shared>> -> memref<64x128xf32, #tpu.memory_space<vmem_shared>>
        tpu.wait_dma2 semaphore(%run_scoped3A : memref<!tpu.dma_semaphore, #tpu.memory_space<semaphore_mem>>) src(%arg15 : memref<64x128xf32, #tpu.memory_space<vmem>>) dst(%dma_wait3A_112 : memref<64x128xf32, #tpu.memory_space<vmem_shared>>)
        tpu.yield
      }) : () -> ()
      %mul3A_71 = arith.constant 624 : i32
      %mul3A_72 = arith.muli %arg1, %mul3A_71 : i32
      %add3A_73 = arith.constant 192 : i32
      %add3A_74 = arith.addi %mul3A_72, %add3A_73 : i32
      "tpu.region"() ({
        %run_scoped3A = tpu.sem_alloc : memref<!tpu.dma_semaphore, #tpu.memory_space<semaphore_mem>>
        %dma_start3A_105 = arith.constant 0 : i32
        %dma_start3A_106 = tpu.memref_slice %arg6[%add3A_74, %dma_start3A_105] : memref<10000x128xf32, #tpu.memory_space<vmem_shared>> -> memref<64x128xf32, #tpu.memory_space<vmem_shared>>
        %dma_start3A_107 = arith.constant 0 : i32
        %dma_start3A_108 = tpu.memref_slice %arg6[%add3A_74, %dma_start3A_107] : memref<10000x128xf32, #tpu.memory_space<vmem_shared>> -> memref<64x128xf32, #tpu.memory_space<vmem_shared>>
        tpu.enqueue_dma source(%arg15 : memref<64x128xf32, #tpu.memory_space<vmem>>) target(%dma_start3A_108 : memref<64x128xf32, #tpu.memory_space<vmem_shared>>) target_semaphore(%run_scoped3A : memref<!tpu.dma_semaphore, #tpu.memory_space<semaphore_mem>>)
        %dma_wait3A_109 = arith.constant 0 : i32
        %dma_wait3A_110 = tpu.memref_slice %arg6[%add3A_74, %dma_wait3A_109] : memref<10000x128xf32, #tpu.memory_space<vmem_shared>> -> memref<64x128xf32, #tpu.memory_space<vmem_shared>>
        %dma_wait3A_111 = arith.constant 0 : i32
        %dma_wait3A_112 = tpu.memref_slice %arg6[%add3A_74, %dma_wait3A_111] : memref<10000x128xf32, #tpu.memory_space<vmem_shared>> -> memref<64x128xf32, #tpu.memory_space<vmem_shared>>
        tpu.wait_dma2 semaphore(%run_scoped3A : memref<!tpu.dma_semaphore, #tpu.memory_space<semaphore_mem>>) src(%arg15 : memref<64x128xf32, #tpu.memory_space<vmem>>) dst(%dma_wait3A_112 : memref<64x128xf32, #tpu.memory_space<vmem_shared>>)
        tpu.yield
      }) : () -> ()
      %mul3A_75 = arith.constant 624 : i32
      %mul3A_76 = arith.muli %arg1, %mul3A_75 : i32
      %add3A_77 = arith.constant 256 : i32
      %add3A_78 = arith.addi %mul3A_76, %add3A_77 : i32
      "tpu.region"() ({
        %run_scoped3A = tpu.sem_alloc : memref<!tpu.dma_semaphore, #tpu.memory_space<semaphore_mem>>
        %dma_start3A_105 = arith.constant 0 : i32
        %dma_start3A_106 = tpu.memref_slice %arg6[%add3A_78, %dma_start3A_105] : memref<10000x128xf32, #tpu.memory_space<vmem_shared>> -> memref<64x128xf32, #tpu.memory_space<vmem_shared>>
        %dma_start3A_107 = arith.constant 0 : i32
        %dma_start3A_108 = tpu.memref_slice %arg6[%add3A_78, %dma_start3A_107] : memref<10000x128xf32, #tpu.memory_space<vmem_shared>> -> memref<64x128xf32, #tpu.memory_space<vmem_shared>>
        tpu.enqueue_dma source(%arg15 : memref<64x128xf32, #tpu.memory_space<vmem>>) target(%dma_start3A_108 : memref<64x128xf32, #tpu.memory_space<vmem_shared>>) target_semaphore(%run_scoped3A : memref<!tpu.dma_semaphore, #tpu.memory_space<semaphore_mem>>)
        %dma_wait3A_109 = arith.constant 0 : i32
        %dma_wait3A_110 = tpu.memref_slice %arg6[%add3A_78, %dma_wait3A_109] : memref<10000x128xf32, #tpu.memory_space<vmem_shared>> -> memref<64x128xf32, #tpu.memory_space<vmem_shared>>
        %dma_wait3A_111 = arith.constant 0 : i32
        %dma_wait3A_112 = tpu.memref_slice %arg6[%add3A_78, %dma_wait3A_111] : memref<10000x128xf32, #tpu.memory_space<vmem_shared>> -> memref<64x128xf32, #tpu.memory_space<vmem_shared>>
        tpu.wait_dma2 semaphore(%run_scoped3A : memref<!tpu.dma_semaphore, #tpu.memory_space<semaphore_mem>>) src(%arg15 : memref<64x128xf32, #tpu.memory_space<vmem>>) dst(%dma_wait3A_112 : memref<64x128xf32, #tpu.memory_space<vmem_shared>>)
        tpu.yield
      }) : () -> ()
      %mul3A_79 = arith.constant 624 : i32
      %mul3A_80 = arith.muli %arg1, %mul3A_79 : i32
      %add3A_81 = arith.constant 320 : i32
      %add3A_82 = arith.addi %mul3A_80, %add3A_81 : i32
      "tpu.region"() ({
        %run_scoped3A = tpu.sem_alloc : memref<!tpu.dma_semaphore, #tpu.memory_space<semaphore_mem>>
        %dma_start3A_105 = arith.constant 0 : i32
        %dma_start3A_106 = tpu.memref_slice %arg6[%add3A_82, %dma_start3A_105] : memref<10000x128xf32, #tpu.memory_space<vmem_shared>> -> memref<64x128xf32, #tpu.memory_space<vmem_shared>>
        %dma_start3A_107 = arith.constant 0 : i32
        %dma_start3A_108 = tpu.memref_slice %arg6[%add3A_82, %dma_start3A_107] : memref<10000x128xf32, #tpu.memory_space<vmem_shared>> -> memref<64x128xf32, #tpu.memory_space<vmem_shared>>
        tpu.enqueue_dma source(%arg15 : memref<64x128xf32, #tpu.memory_space<vmem>>) target(%dma_start3A_108 : memref<64x128xf32, #tpu.memory_space<vmem_shared>>) target_semaphore(%run_scoped3A : memref<!tpu.dma_semaphore, #tpu.memory_space<semaphore_mem>>)
        %dma_wait3A_109 = arith.constant 0 : i32
        %dma_wait3A_110 = tpu.memref_slice %arg6[%add3A_82, %dma_wait3A_109] : memref<10000x128xf32, #tpu.memory_space<vmem_shared>> -> memref<64x128xf32, #tpu.memory_space<vmem_shared>>
        %dma_wait3A_111 = arith.constant 0 : i32
        %dma_wait3A_112 = tpu.memref_slice %arg6[%add3A_82, %dma_wait3A_111] : memref<10000x128xf32, #tpu.memory_space<vmem_shared>> -> memref<64x128xf32, #tpu.memory_space<vmem_shared>>
        tpu.wait_dma2 semaphore(%run_scoped3A : memref<!tpu.dma_semaphore, #tpu.memory_space<semaphore_mem>>) src(%arg15 : memref<64x128xf32, #tpu.memory_space<vmem>>) dst(%dma_wait3A_112 : memref<64x128xf32, #tpu.memory_space<vmem_shared>>)
        tpu.yield
      }) : () -> ()
      %mul3A_83 = arith.constant 624 : i32
      %mul3A_84 = arith.muli %arg1, %mul3A_83 : i32
      %add3A_85 = arith.constant 384 : i32
      %add3A_86 = arith.addi %mul3A_84, %add3A_85 : i32
      "tpu.region"() ({
        %run_scoped3A = tpu.sem_alloc : memref<!tpu.dma_semaphore, #tpu.memory_space<semaphore_mem>>
        %dma_start3A_105 = arith.constant 0 : i32
        %dma_start3A_106 = tpu.memref_slice %arg6[%add3A_86, %dma_start3A_105] : memref<10000x128xf32, #tpu.memory_space<vmem_shared>> -> memref<64x128xf32, #tpu.memory_space<vmem_shared>>
        %dma_start3A_107 = arith.constant 0 : i32
        %dma_start3A_108 = tpu.memref_slice %arg6[%add3A_86, %dma_start3A_107] : memref<10000x128xf32, #tpu.memory_space<vmem_shared>> -> memref<64x128xf32, #tpu.memory_space<vmem_shared>>
        tpu.enqueue_dma source(%arg15 : memref<64x128xf32, #tpu.memory_space<vmem>>) target(%dma_start3A_108 : memref<64x128xf32, #tpu.memory_space<vmem_shared>>) target_semaphore(%run_scoped3A : memref<!tpu.dma_semaphore, #tpu.memory_space<semaphore_mem>>)
        %dma_wait3A_109 = arith.constant 0 : i32
        %dma_wait3A_110 = tpu.memref_slice %arg6[%add3A_86, %dma_wait3A_109] : memref<10000x128xf32, #tpu.memory_space<vmem_shared>> -> memref<64x128xf32, #tpu.memory_space<vmem_shared>>
        %dma_wait3A_111 = arith.constant 0 : i32
        %dma_wait3A_112 = tpu.memref_slice %arg6[%add3A_86, %dma_wait3A_111] : memref<10000x128xf32, #tpu.memory_space<vmem_shared>> -> memref<64x128xf32, #tpu.memory_space<vmem_shared>>
        tpu.wait_dma2 semaphore(%run_scoped3A : memref<!tpu.dma_semaphore, #tpu.memory_space<semaphore_mem>>) src(%arg15 : memref<64x128xf32, #tpu.memory_space<vmem>>) dst(%dma_wait3A_112 : memref<64x128xf32, #tpu.memory_space<vmem_shared>>)
        tpu.yield
      }) : () -> ()
      %mul3A_87 = arith.constant 624 : i32
      %mul3A_88 = arith.muli %arg1, %mul3A_87 : i32
      %add3A_89 = arith.constant 448 : i32
      %add3A_90 = arith.addi %mul3A_88, %add3A_89 : i32
      "tpu.region"() ({
        %run_scoped3A = tpu.sem_alloc : memref<!tpu.dma_semaphore, #tpu.memory_space<semaphore_mem>>
        %dma_start3A_105 = arith.constant 0 : i32
        %dma_start3A_106 = tpu.memref_slice %arg6[%add3A_90, %dma_start3A_105] : memref<10000x128xf32, #tpu.memory_space<vmem_shared>> -> memref<64x128xf32, #tpu.memory_space<vmem_shared>>
        %dma_start3A_107 = arith.constant 0 : i32
        %dma_start3A_108 = tpu.memref_slice %arg6[%add3A_90, %dma_start3A_107] : memref<10000x128xf32, #tpu.memory_space<vmem_shared>> -> memref<64x128xf32, #tpu.memory_space<vmem_shared>>
        tpu.enqueue_dma source(%arg15 : memref<64x128xf32, #tpu.memory_space<vmem>>) target(%dma_start3A_108 : memref<64x128xf32, #tpu.memory_space<vmem_shared>>) target_semaphore(%run_scoped3A : memref<!tpu.dma_semaphore, #tpu.memory_space<semaphore_mem>>)
        %dma_wait3A_109 = arith.constant 0 : i32
        %dma_wait3A_110 = tpu.memref_slice %arg6[%add3A_90, %dma_wait3A_109] : memref<10000x128xf32, #tpu.memory_space<vmem_shared>> -> memref<64x128xf32, #tpu.memory_space<vmem_shared>>
        %dma_wait3A_111 = arith.constant 0 : i32
        %dma_wait3A_112 = tpu.memref_slice %arg6[%add3A_90, %dma_wait3A_111] : memref<10000x128xf32, #tpu.memory_space<vmem_shared>> -> memref<64x128xf32, #tpu.memory_space<vmem_shared>>
        tpu.wait_dma2 semaphore(%run_scoped3A : memref<!tpu.dma_semaphore, #tpu.memory_space<semaphore_mem>>) src(%arg15 : memref<64x128xf32, #tpu.memory_space<vmem>>) dst(%dma_wait3A_112 : memref<64x128xf32, #tpu.memory_space<vmem_shared>>)
        tpu.yield
      }) : () -> ()
      %mul3A_91 = arith.constant 624 : i32
      %mul3A_92 = arith.muli %arg1, %mul3A_91 : i32
      %add3A_93 = arith.constant 512 : i32
      %add3A_94 = arith.addi %mul3A_92, %add3A_93 : i32
      "tpu.region"() ({
        %run_scoped3A = tpu.sem_alloc : memref<!tpu.dma_semaphore, #tpu.memory_space<semaphore_mem>>
        %dma_start3A_105 = arith.constant 0 : i32
        %dma_start3A_106 = tpu.memref_slice %arg6[%add3A_94, %dma_start3A_105] : memref<10000x128xf32, #tpu.memory_space<vmem_shared>> -> memref<64x128xf32, #tpu.memory_space<vmem_shared>>
        %dma_start3A_107 = arith.constant 0 : i32
        %dma_start3A_108 = tpu.memref_slice %arg6[%add3A_94, %dma_start3A_107] : memref<10000x128xf32, #tpu.memory_space<vmem_shared>> -> memref<64x128xf32, #tpu.memory_space<vmem_shared>>
        tpu.enqueue_dma source(%arg15 : memref<64x128xf32, #tpu.memory_space<vmem>>) target(%dma_start3A_108 : memref<64x128xf32, #tpu.memory_space<vmem_shared>>) target_semaphore(%run_scoped3A : memref<!tpu.dma_semaphore, #tpu.memory_space<semaphore_mem>>)
        %dma_wait3A_109 = arith.constant 0 : i32
        %dma_wait3A_110 = tpu.memref_slice %arg6[%add3A_94, %dma_wait3A_109] : memref<10000x128xf32, #tpu.memory_space<vmem_shared>> -> memref<64x128xf32, #tpu.memory_space<vmem_shared>>
        %dma_wait3A_111 = arith.constant 0 : i32
        %dma_wait3A_112 = tpu.memref_slice %arg6[%add3A_94, %dma_wait3A_111] : memref<10000x128xf32, #tpu.memory_space<vmem_shared>> -> memref<64x128xf32, #tpu.memory_space<vmem_shared>>
        tpu.wait_dma2 semaphore(%run_scoped3A : memref<!tpu.dma_semaphore, #tpu.memory_space<semaphore_mem>>) src(%arg15 : memref<64x128xf32, #tpu.memory_space<vmem>>) dst(%dma_wait3A_112 : memref<64x128xf32, #tpu.memory_space<vmem_shared>>)
        tpu.yield
      }) : () -> ()
      %mul3A_95 = arith.constant 624 : i32
      %mul3A_96 = arith.muli %arg1, %mul3A_95 : i32
      %add3A_97 = arith.constant 624 : i32
      %add3A_98 = arith.addi %mul3A_96, %add3A_97 : i32
      %sub3A = arith.constant 48 : i32
      %sub3A_99 = arith.subi %add3A_98, %sub3A : i32
      "tpu.region"() ({
        %run_scoped3A = tpu.sem_alloc : memref<!tpu.dma_semaphore, #tpu.memory_space<semaphore_mem>>
        %dma_start3A_105 = arith.constant 0 : i32
        %dma_start3A_106 = arith.constant 0 : i32
        %dma_start3A_107 = tpu.memref_slice %arg15[%dma_start3A_105, %dma_start3A_106] : memref<64x128xf32, #tpu.memory_space<vmem>> -> memref<48x128xf32, #tpu.memory_space<vmem>>
        %dma_start3A_108 = arith.constant 0 : i32
        %dma_start3A_109 = tpu.memref_slice %arg6[%sub3A_99, %dma_start3A_108] : memref<10000x128xf32, #tpu.memory_space<vmem_shared>> -> memref<48x128xf32, #tpu.memory_space<vmem_shared>>
        %dma_start3A_110 = arith.constant 0 : i32
        %dma_start3A_111 = tpu.memref_slice %arg6[%sub3A_99, %dma_start3A_110] : memref<10000x128xf32, #tpu.memory_space<vmem_shared>> -> memref<48x128xf32, #tpu.memory_space<vmem_shared>>
        %dma_start3A_112 = arith.constant 0 : i32
        %dma_start3A_113 = arith.constant 0 : i32
        %dma_start3A_114 = tpu.memref_slice %arg15[%dma_start3A_112, %dma_start3A_113] : memref<64x128xf32, #tpu.memory_space<vmem>> -> memref<48x128xf32, #tpu.memory_space<vmem>>
        tpu.enqueue_dma source(%dma_start3A_114 : memref<48x128xf32, #tpu.memory_space<vmem>>) target(%dma_start3A_111 : memref<48x128xf32, #tpu.memory_space<vmem_shared>>) target_semaphore(%run_scoped3A : memref<!tpu.dma_semaphore, #tpu.memory_space<semaphore_mem>>)
        %dma_wait3A_115 = arith.constant 0 : i32
        %dma_wait3A_116 = arith.constant 0 : i32
        %dma_wait3A_117 = tpu.memref_slice %arg15[%dma_wait3A_115, %dma_wait3A_116] : memref<64x128xf32, #tpu.memory_space<vmem>> -> memref<48x128xf32, #tpu.memory_space<vmem>>
        %dma_wait3A_118 = arith.constant 0 : i32
        %dma_wait3A_119 = tpu.memref_slice %arg6[%sub3A_99, %dma_wait3A_118] : memref<10000x128xf32, #tpu.memory_space<vmem_shared>> -> memref<48x128xf32, #tpu.memory_space<vmem_shared>>
        %dma_wait3A_120 = arith.constant 0 : i32
        %dma_wait3A_121 = tpu.memref_slice %arg6[%sub3A_99, %dma_wait3A_120] : memref<10000x128xf32, #tpu.memory_space<vmem_shared>> -> memref<48x128xf32, #tpu.memory_space<vmem_shared>>
        %dma_wait3A_122 = arith.constant 0 : i32
        %dma_wait3A_123 = arith.constant 0 : i32
        %dma_wait3A_124 = tpu.memref_slice %arg15[%dma_wait3A_122, %dma_wait3A_123] : memref<64x128xf32, #tpu.memory_space<vmem>> -> memref<48x128xf32, #tpu.memory_space<vmem>>
        tpu.wait_dma2 semaphore(%run_scoped3A : memref<!tpu.dma_semaphore, #tpu.memory_space<semaphore_mem>>) src(%dma_wait3A_124 : memref<48x128xf32, #tpu.memory_space<vmem>>) dst(%dma_wait3A_121 : memref<48x128xf32, #tpu.memory_space<vmem_shared>>)
        tpu.yield
      }) : () -> ()
      %eq3A_100 = arith.constant 0 : i32
      %eq3A_101 = arith.cmpi eq, %arg1, %eq3A_100 : i32
      %convert_element_type3A_102 = arith.extui %eq3A_101 : i1 to i32
      %cond3A_103 = arith.constant 0 : i32
      %cond3A_104 = arith.cmpi ne, %convert_element_type3A_102, %cond3A_103 : i32
      scf.if %cond3A_104 {
        "tpu.region"() ({
          %run_scoped3A = tpu.sem_alloc : memref<!tpu.dma_semaphore, #tpu.memory_space<semaphore_mem>>
          %dma_start3A_105 = arith.constant 0 : i32
          %dma_start3A_106 = arith.constant 0 : i32
          %dma_start3A_107 = tpu.memref_slice %arg15[%dma_start3A_105, %dma_start3A_106] : memref<64x128xf32, #tpu.memory_space<vmem>> -> memref<16x128xf32, #tpu.memory_space<vmem>>
          %dma_start3A_108 = arith.constant 9984 : i32
          %dma_start3A_109 = arith.constant 0 : i32
          %dma_start3A_110 = tpu.memref_slice %arg6[%dma_start3A_108, %dma_start3A_109] : memref<10000x128xf32, #tpu.memory_space<vmem_shared>> -> memref<16x128xf32, #tpu.memory_space<vmem_shared>>
          %dma_start3A_111 = arith.constant 9984 : i32
          %dma_start3A_112 = arith.constant 0 : i32
          %dma_start3A_113 = tpu.memref_slice %arg6[%dma_start3A_111, %dma_start3A_112] : memref<10000x128xf32, #tpu.memory_space<vmem_shared>> -> memref<16x128xf32, #tpu.memory_space<vmem_shared>>
          %dma_start3A_114 = arith.constant 0 : i32
          %dma_start3A_115 = arith.constant 0 : i32
          %dma_start3A_116 = tpu.memref_slice %arg15[%dma_start3A_114, %dma_start3A_115] : memref<64x128xf32, #tpu.memory_space<vmem>> -> memref<16x128xf32, #tpu.memory_space<vmem>>
          tpu.enqueue_dma source(%dma_start3A_116 : memref<16x128xf32, #tpu.memory_space<vmem>>) target(%dma_start3A_113 : memref<16x128xf32, #tpu.memory_space<vmem_shared>>) target_semaphore(%run_scoped3A : memref<!tpu.dma_semaphore, #tpu.memory_space<semaphore_mem>>)
          %dma_wait3A_117 = arith.constant 0 : i32
          %dma_wait3A_118 = arith.constant 0 : i32
          %dma_wait3A_119 = tpu.memref_slice %arg15[%dma_wait3A_117, %dma_wait3A_118] : memref<64x128xf32, #tpu.memory_space<vmem>> -> memref<16x128xf32, #tpu.memory_space<vmem>>
          %dma_wait3A_120 = arith.constant 9984 : i32
          %dma_wait3A_121 = arith.constant 0 : i32
          %dma_wait3A_122 = tpu.memref_slice %arg6[%dma_wait3A_120, %dma_wait3A_121] : memref<10000x128xf32, #tpu.memory_space<vmem_shared>> -> memref<16x128xf32, #tpu.memory_space<vmem_shared>>
          %dma_wait3A_123 = arith.constant 9984 : i32
          %dma_wait3A_124 = arith.constant 0 : i32
          %dma_wait3A_125 = tpu.memref_slice %arg6[%dma_wait3A_123, %dma_wait3A_124] : memref<10000x128xf32, #tpu.memory_space<vmem_shared>> -> memref<16x128xf32, #tpu.memory_space<vmem_shared>>
          %dma_wait3A_126 = arith.constant 0 : i32
          %dma_wait3A_127 = arith.constant 0 : i32
          %dma_wait3A_128 = tpu.memref_slice %arg15[%dma_wait3A_126, %dma_wait3A_127] : memref<64x128xf32, #tpu.memory_space<vmem>> -> memref<16x128xf32, #tpu.memory_space<vmem>>
          tpu.wait_dma2 semaphore(%run_scoped3A : memref<!tpu.dma_semaphore, #tpu.memory_space<semaphore_mem>>) src(%dma_wait3A_128 : memref<16x128xf32, #tpu.memory_space<vmem>>) dst(%dma_wait3A_125 : memref<16x128xf32, #tpu.memory_space<vmem_shared>>)
          tpu.yield
        }) : () -> ()
      } else {
      }
    } else {
    }
    %barrier3A = arith.constant 0 : index
    tpu.barrier barrier_id(%barrier3A)
    %scan3A = arith.constant 0 : i32
    %scan3A_32 = arith.constant 0 : i32
    %scan3A_33 = arith.constant 31 : i32
    %scan3A_34 = arith.addi %scan3A_32, %scan3A_33 : i32
    %scan3A_35 = arith.constant 1 : i32
    %scan3A_36 = scf.for %scan3A_52 = %scan3A_32 to %scan3A_34 step %scan3A_35 iter_args(%scan3A_53 = %scan3A) -> (i32)  : i32 {
      %mul3A_54 = arith.constant 4 : i32
      %mul3A_55 = arith.muli %scan3A_52, %mul3A_54 : i32
      %add3A_56 = arith.constant 0 : i32
      %add3A_57 = arith.addi %mul3A_55, %add3A_56 : i32
      %mul3A_58 = arith.constant 80 : i32
      %mul3A_59 = arith.muli %add3A_57, %mul3A_58 : i32
      %add3A_60 = arith.addi %mul3A_2, %mul3A_59 : i32
      %dma_wait3A_61 = tpu.memref_slice %arg4[%add3A_60] : memref<320000xi32, #tpu.memory_space<hbm>> -> memref<80xi32, #tpu.memory_space<hbm>>
      %dma_wait3A_62 = tpu.memref_slice %arg4[%add3A_60] : memref<320000xi32, #tpu.memory_space<hbm>> -> memref<80xi32, #tpu.memory_space<hbm>>
      tpu.wait_dma2 semaphore(%arg16 : memref<!tpu.dma_semaphore, #tpu.memory_space<semaphore_mem>>) src(%dma_wait3A_62 : memref<80xi32, #tpu.memory_space<hbm>>) dst(%arg11 : memref<80xi32, #tpu.memory_space<vmem>>)
      %dma_wait3A_63 = arith.constant 0 : i32
      %dma_wait3A_64 = tpu.memref_slice %arg3[%add3A_60, %dma_wait3A_63] : memref<320000x128xf32, #tpu.memory_space<hbm>> -> memref<80x128xf32, #tpu.memory_space<hbm>>
      %dma_wait3A_65 = arith.constant 0 : i32
      %dma_wait3A_66 = tpu.memref_slice %arg3[%add3A_60, %dma_wait3A_65] : memref<320000x128xf32, #tpu.memory_space<hbm>> -> memref<80x128xf32, #tpu.memory_space<hbm>>
      tpu.wait_dma2 semaphore(%arg16 : memref<!tpu.dma_semaphore, #tpu.memory_space<semaphore_mem>>) src(%dma_wait3A_66 : memref<80x128xf32, #tpu.memory_space<hbm>>) dst(%arg7 : memref<80x128xf32, #tpu.memory_space<vmem>>)
      %dma_start3A_67 = arith.constant 0 : i32
      %dma_start3A_68 = arith.constant 0 : i32
      %dma_start3A_69 = tpu.memref_slice %arg6[%dma_start3A_67, %dma_start3A_68] : memref<10000x128xf32, #tpu.memory_space<vmem_shared>> -> memref<10000x128xf32, #tpu.memory_space<vmem_shared>>
      tpu.enqueue_indirect_dma source(%arg7 : memref<80x128xf32, #tpu.memory_space<vmem>>) target(%dma_start3A_69 : memref<10000x128xf32, #tpu.memory_space<vmem_shared>>) offsets(%arg11 : memref<80xi32, #tpu.memory_space<vmem>>) semaphore(%arg20 : memref<!tpu.dma_semaphore, #tpu.memory_space<semaphore_mem>>) {add = true}
      %ge3A = arith.constant 1 : i32
      %ge3A_70 = arith.cmpi sge, %add3A_57, %ge3A : i32
      %convert_element_type3A_71 = arith.extui %ge3A_70 : i1 to i32
      %cond3A_72 = arith.constant 0 : i32
      %cond3A_73 = arith.cmpi ne, %convert_element_type3A_71, %cond3A_72 : i32
      scf.if %cond3A_73 {
        %dma_wait3A_165 = arith.constant 0 : i32
        %dma_wait3A_166 = arith.constant 0 : i32
        %dma_wait3A_167 = tpu.memref_slice %arg6[%dma_wait3A_165, %dma_wait3A_166] : memref<10000x128xf32, #tpu.memory_space<vmem_shared>> -> memref<10000x128xf32, #tpu.memory_space<vmem_shared>>
        tpu.wait_indirect_dma semaphore(%arg23 : memref<!tpu.dma_semaphore, #tpu.memory_space<semaphore_mem>>) src(%arg10 : memref<80x128xf32, #tpu.memory_space<vmem>>) dst(%dma_wait3A_167 : memref<10000x128xf32, #tpu.memory_space<vmem_shared>>)
      } else {
      }
      %add3A_74 = arith.constant 3 : i32
      %add3A_75 = arith.addi %add3A_57, %add3A_74 : i32
      %lt3A = arith.constant 124 : i32
      %lt3A_76 = arith.cmpi slt, %add3A_75, %lt3A : i32
      %convert_element_type3A_77 = arith.extui %lt3A_76 : i1 to i32
      %cond3A_78 = arith.constant 0 : i32
      %cond3A_79 = arith.cmpi ne, %convert_element_type3A_77, %cond3A_78 : i32
      scf.if %cond3A_79 {
        %add3A_165 = arith.constant 3 : i32
        %add3A_166 = arith.addi %add3A_57, %add3A_165 : i32
        %mul3A_167 = arith.constant 80 : i32
        %mul3A_168 = arith.muli %add3A_166, %mul3A_167 : i32
        %add3A_169 = arith.addi %mul3A_2, %mul3A_168 : i32
        %dma_start3A_170 = tpu.memref_slice %arg4[%add3A_169] : memref<320000xi32, #tpu.memory_space<hbm>> -> memref<80xi32, #tpu.memory_space<hbm>>
        %dma_start3A_171 = tpu.memref_slice %arg4[%add3A_169] : memref<320000xi32, #tpu.memory_space<hbm>> -> memref<80xi32, #tpu.memory_space<hbm>>
        tpu.enqueue_dma source(%dma_start3A_171 : memref<80xi32, #tpu.memory_space<hbm>>) target(%arg14 : memref<80xi32, #tpu.memory_space<vmem>>) target_semaphore(%arg19 : memref<!tpu.dma_semaphore, #tpu.memory_space<semaphore_mem>>)
        %dma_start3A_172 = arith.constant 0 : i32
        %dma_start3A_173 = tpu.memref_slice %arg3[%add3A_169, %dma_start3A_172] : memref<320000x128xf32, #tpu.memory_space<hbm>> -> memref<80x128xf32, #tpu.memory_space<hbm>>
        %dma_start3A_174 = arith.constant 0 : i32
        %dma_start3A_175 = tpu.memref_slice %arg3[%add3A_169, %dma_start3A_174] : memref<320000x128xf32, #tpu.memory_space<hbm>> -> memref<80x128xf32, #tpu.memory_space<hbm>>
        tpu.enqueue_dma source(%dma_start3A_175 : memref<80x128xf32, #tpu.memory_space<hbm>>) target(%arg10 : memref<80x128xf32, #tpu.memory_space<vmem>>) target_semaphore(%arg19 : memref<!tpu.dma_semaphore, #tpu.memory_space<semaphore_mem>>)
      } else {
      }
      %mul3A_80 = arith.constant 4 : i32
      %mul3A_81 = arith.muli %scan3A_52, %mul3A_80 : i32
      %add3A_82 = arith.constant 1 : i32
      %add3A_83 = arith.addi %mul3A_81, %add3A_82 : i32
      %mul3A_84 = arith.constant 80 : i32
      %mul3A_85 = arith.muli %add3A_83, %mul3A_84 : i32
      %add3A_86 = arith.addi %mul3A_2, %mul3A_85 : i32
      %dma_wait3A_87 = tpu.memref_slice %arg4[%add3A_86] : memref<320000xi32, #tpu.memory_space<hbm>> -> memref<80xi32, #tpu.memory_space<hbm>>
      %dma_wait3A_88 = tpu.memref_slice %arg4[%add3A_86] : memref<320000xi32, #tpu.memory_space<hbm>> -> memref<80xi32, #tpu.memory_space<hbm>>
      tpu.wait_dma2 semaphore(%arg17 : memref<!tpu.dma_semaphore, #tpu.memory_space<semaphore_mem>>) src(%dma_wait3A_88 : memref<80xi32, #tpu.memory_space<hbm>>) dst(%arg12 : memref<80xi32, #tpu.memory_space<vmem>>)
      %dma_wait3A_89 = arith.constant 0 : i32
      %dma_wait3A_90 = tpu.memref_slice %arg3[%add3A_86, %dma_wait3A_89] : memref<320000x128xf32, #tpu.memory_space<hbm>> -> memref<80x128xf32, #tpu.memory_space<hbm>>
      %dma_wait3A_91 = arith.constant 0 : i32
      %dma_wait3A_92 = tpu.memref_slice %arg3[%add3A_86, %dma_wait3A_91] : memref<320000x128xf32, #tpu.memory_space<hbm>> -> memref<80x128xf32, #tpu.memory_space<hbm>>
      tpu.wait_dma2 semaphore(%arg17 : memref<!tpu.dma_semaphore, #tpu.memory_space<semaphore_mem>>) src(%dma_wait3A_92 : memref<80x128xf32, #tpu.memory_space<hbm>>) dst(%arg8 : memref<80x128xf32, #tpu.memory_space<vmem>>)
      %dma_start3A_93 = arith.constant 0 : i32
      %dma_start3A_94 = arith.constant 0 : i32
      %dma_start3A_95 = tpu.memref_slice %arg6[%dma_start3A_93, %dma_start3A_94] : memref<10000x128xf32, #tpu.memory_space<vmem_shared>> -> memref<10000x128xf32, #tpu.memory_space<vmem_shared>>
      tpu.enqueue_indirect_dma source(%arg8 : memref<80x128xf32, #tpu.memory_space<vmem>>) target(%dma_start3A_95 : memref<10000x128xf32, #tpu.memory_space<vmem_shared>>) offsets(%arg12 : memref<80xi32, #tpu.memory_space<vmem>>) semaphore(%arg21 : memref<!tpu.dma_semaphore, #tpu.memory_space<semaphore_mem>>) {add = true}
      %ge3A_96 = arith.constant 1 : i32
      %ge3A_97 = arith.cmpi sge, %add3A_83, %ge3A_96 : i32
      %convert_element_type3A_98 = arith.extui %ge3A_97 : i1 to i32
      %cond3A_99 = arith.constant 0 : i32
      %cond3A_100 = arith.cmpi ne, %convert_element_type3A_98, %cond3A_99 : i32
      scf.if %cond3A_100 {
        %dma_wait3A_165 = arith.constant 0 : i32
        %dma_wait3A_166 = arith.constant 0 : i32
        %dma_wait3A_167 = tpu.memref_slice %arg6[%dma_wait3A_165, %dma_wait3A_166] : memref<10000x128xf32, #tpu.memory_space<vmem_shared>> -> memref<10000x128xf32, #tpu.memory_space<vmem_shared>>
        tpu.wait_indirect_dma semaphore(%arg20 : memref<!tpu.dma_semaphore, #tpu.memory_space<semaphore_mem>>) src(%arg7 : memref<80x128xf32, #tpu.memory_space<vmem>>) dst(%dma_wait3A_167 : memref<10000x128xf32, #tpu.memory_space<vmem_shared>>)
      } else {
      }
      %add3A_101 = arith.constant 3 : i32
      %add3A_102 = arith.addi %add3A_83, %add3A_101 : i32
      %lt3A_103 = arith.constant 124 : i32
      %lt3A_104 = arith.cmpi slt, %add3A_102, %lt3A_103 : i32
      %convert_element_type3A_105 = arith.extui %lt3A_104 : i1 to i32
      %cond3A_106 = arith.constant 0 : i32
      %cond3A_107 = arith.cmpi ne, %convert_element_type3A_105, %cond3A_106 : i32
      scf.if %cond3A_107 {
        %add3A_165 = arith.constant 3 : i32
        %add3A_166 = arith.addi %add3A_83, %add3A_165 : i32
        %mul3A_167 = arith.constant 80 : i32
        %mul3A_168 = arith.muli %add3A_166, %mul3A_167 : i32
        %add3A_169 = arith.addi %mul3A_2, %mul3A_168 : i32
        %dma_start3A_170 = tpu.memref_slice %arg4[%add3A_169] : memref<320000xi32, #tpu.memory_space<hbm>> -> memref<80xi32, #tpu.memory_space<hbm>>
        %dma_start3A_171 = tpu.memref_slice %arg4[%add3A_169] : memref<320000xi32, #tpu.memory_space<hbm>> -> memref<80xi32, #tpu.memory_space<hbm>>
        tpu.enqueue_dma source(%dma_start3A_171 : memref<80xi32, #tpu.memory_space<hbm>>) target(%arg11 : memref<80xi32, #tpu.memory_space<vmem>>) target_semaphore(%arg16 : memref<!tpu.dma_semaphore, #tpu.memory_space<semaphore_mem>>)
        %dma_start3A_172 = arith.constant 0 : i32
        %dma_start3A_173 = tpu.memref_slice %arg3[%add3A_169, %dma_start3A_172] : memref<320000x128xf32, #tpu.memory_space<hbm>> -> memref<80x128xf32, #tpu.memory_space<hbm>>
        %dma_start3A_174 = arith.constant 0 : i32
        %dma_start3A_175 = tpu.memref_slice %arg3[%add3A_169, %dma_start3A_174] : memref<320000x128xf32, #tpu.memory_space<hbm>> -> memref<80x128xf32, #tpu.memory_space<hbm>>
        tpu.enqueue_dma source(%dma_start3A_175 : memref<80x128xf32, #tpu.memory_space<hbm>>) target(%arg7 : memref<80x128xf32, #tpu.memory_space<vmem>>) target_semaphore(%arg16 : memref<!tpu.dma_semaphore, #tpu.memory_space<semaphore_mem>>)
      } else {
      }
      %mul3A_108 = arith.constant 4 : i32
      %mul3A_109 = arith.muli %scan3A_52, %mul3A_108 : i32
      %add3A_110 = arith.constant 2 : i32
      %add3A_111 = arith.addi %mul3A_109, %add3A_110 : i32
      %mul3A_112 = arith.constant 80 : i32
      %mul3A_113 = arith.muli %add3A_111, %mul3A_112 : i32
      %add3A_114 = arith.addi %mul3A_2, %mul3A_113 : i32
      %dma_wait3A_115 = tpu.memref_slice %arg4[%add3A_114] : memref<320000xi32, #tpu.memory_space<hbm>> -> memref<80xi32, #tpu.memory_space<hbm>>
      %dma_wait3A_116 = tpu.memref_slice %arg4[%add3A_114] : memref<320000xi32, #tpu.memory_space<hbm>> -> memref<80xi32, #tpu.memory_space<hbm>>
      tpu.wait_dma2 semaphore(%arg18 : memref<!tpu.dma_semaphore, #tpu.memory_space<semaphore_mem>>) src(%dma_wait3A_116 : memref<80xi32, #tpu.memory_space<hbm>>) dst(%arg13 : memref<80xi32, #tpu.memory_space<vmem>>)
      %dma_wait3A_117 = arith.constant 0 : i32
      %dma_wait3A_118 = tpu.memref_slice %arg3[%add3A_114, %dma_wait3A_117] : memref<320000x128xf32, #tpu.memory_space<hbm>> -> memref<80x128xf32, #tpu.memory_space<hbm>>
      %dma_wait3A_119 = arith.constant 0 : i32
      %dma_wait3A_120 = tpu.memref_slice %arg3[%add3A_114, %dma_wait3A_119] : memref<320000x128xf32, #tpu.memory_space<hbm>> -> memref<80x128xf32, #tpu.memory_space<hbm>>
      tpu.wait_dma2 semaphore(%arg18 : memref<!tpu.dma_semaphore, #tpu.memory_space<semaphore_mem>>) src(%dma_wait3A_120 : memref<80x128xf32, #tpu.memory_space<hbm>>) dst(%arg9 : memref<80x128xf32, #tpu.memory_space<vmem>>)
      %dma_start3A_121 = arith.constant 0 : i32
      %dma_start3A_122 = arith.constant 0 : i32
      %dma_start3A_123 = tpu.memref_slice %arg6[%dma_start3A_121, %dma_start3A_122] : memref<10000x128xf32, #tpu.memory_space<vmem_shared>> -> memref<10000x128xf32, #tpu.memory_space<vmem_shared>>
      tpu.enqueue_indirect_dma source(%arg9 : memref<80x128xf32, #tpu.memory_space<vmem>>) target(%dma_start3A_123 : memref<10000x128xf32, #tpu.memory_space<vmem_shared>>) offsets(%arg13 : memref<80xi32, #tpu.memory_space<vmem>>) semaphore(%arg22 : memref<!tpu.dma_semaphore, #tpu.memory_space<semaphore_mem>>) {add = true}
      %ge3A_124 = arith.constant 1 : i32
      %ge3A_125 = arith.cmpi sge, %add3A_111, %ge3A_124 : i32
      %convert_element_type3A_126 = arith.extui %ge3A_125 : i1 to i32
      %cond3A_127 = arith.constant 0 : i32
      %cond3A_128 = arith.cmpi ne, %convert_element_type3A_126, %cond3A_127 : i32
      scf.if %cond3A_128 {
        %dma_wait3A_165 = arith.constant 0 : i32
        %dma_wait3A_166 = arith.constant 0 : i32
        %dma_wait3A_167 = tpu.memref_slice %arg6[%dma_wait3A_165, %dma_wait3A_166] : memref<10000x128xf32, #tpu.memory_space<vmem_shared>> -> memref<10000x128xf32, #tpu.memory_space<vmem_shared>>
        tpu.wait_indirect_dma semaphore(%arg21 : memref<!tpu.dma_semaphore, #tpu.memory_space<semaphore_mem>>) src(%arg8 : memref<80x128xf32, #tpu.memory_space<vmem>>) dst(%dma_wait3A_167 : memref<10000x128xf32, #tpu.memory_space<vmem_shared>>)
      } else {
      }
      %add3A_129 = arith.constant 3 : i32
      %add3A_130 = arith.addi %add3A_111, %add3A_129 : i32
      %lt3A_131 = arith.constant 124 : i32
      %lt3A_132 = arith.cmpi slt, %add3A_130, %lt3A_131 : i32
      %convert_element_type3A_133 = arith.extui %lt3A_132 : i1 to i32
      %cond3A_134 = arith.constant 0 : i32
      %cond3A_135 = arith.cmpi ne, %convert_element_type3A_133, %cond3A_134 : i32
      scf.if %cond3A_135 {
        %add3A_165 = arith.constant 3 : i32
        %add3A_166 = arith.addi %add3A_111, %add3A_165 : i32
        %mul3A_167 = arith.constant 80 : i32
        %mul3A_168 = arith.muli %add3A_166, %mul3A_167 : i32
        %add3A_169 = arith.addi %mul3A_2, %mul3A_168 : i32
        %dma_start3A_170 = tpu.memref_slice %arg4[%add3A_169] : memref<320000xi32, #tpu.memory_space<hbm>> -> memref<80xi32, #tpu.memory_space<hbm>>
        %dma_start3A_171 = tpu.memref_slice %arg4[%add3A_169] : memref<320000xi32, #tpu.memory_space<hbm>> -> memref<80xi32, #tpu.memory_space<hbm>>
        tpu.enqueue_dma source(%dma_start3A_171 : memref<80xi32, #tpu.memory_space<hbm>>) target(%arg12 : memref<80xi32, #tpu.memory_space<vmem>>) target_semaphore(%arg17 : memref<!tpu.dma_semaphore, #tpu.memory_space<semaphore_mem>>)
        %dma_start3A_172 = arith.constant 0 : i32
        %dma_start3A_173 = tpu.memref_slice %arg3[%add3A_169, %dma_start3A_172] : memref<320000x128xf32, #tpu.memory_space<hbm>> -> memref<80x128xf32, #tpu.memory_space<hbm>>
        %dma_start3A_174 = arith.constant 0 : i32
        %dma_start3A_175 = tpu.memref_slice %arg3[%add3A_169, %dma_start3A_174] : memref<320000x128xf32, #tpu.memory_space<hbm>> -> memref<80x128xf32, #tpu.memory_space<hbm>>
        tpu.enqueue_dma source(%dma_start3A_175 : memref<80x128xf32, #tpu.memory_space<hbm>>) target(%arg8 : memref<80x128xf32, #tpu.memory_space<vmem>>) target_semaphore(%arg17 : memref<!tpu.dma_semaphore, #tpu.memory_space<semaphore_mem>>)
      } else {
      }
      %mul3A_136 = arith.constant 4 : i32
      %mul3A_137 = arith.muli %scan3A_52, %mul3A_136 : i32
      %add3A_138 = arith.constant 3 : i32
      %add3A_139 = arith.addi %mul3A_137, %add3A_138 : i32
      %mul3A_140 = arith.constant 80 : i32
      %mul3A_141 = arith.muli %add3A_139, %mul3A_140 : i32
      %add3A_142 = arith.addi %mul3A_2, %mul3A_141 : i32
      %dma_wait3A_143 = tpu.memref_slice %arg4[%add3A_142] : memref<320000xi32, #tpu.memory_space<hbm>> -> memref<80xi32, #tpu.memory_space<hbm>>
      %dma_wait3A_144 = tpu.memref_slice %arg4[%add3A_142] : memref<320000xi32, #tpu.memory_space<hbm>> -> memref<80xi32, #tpu.memory_space<hbm>>
      tpu.wait_dma2 semaphore(%arg19 : memref<!tpu.dma_semaphore, #tpu.memory_space<semaphore_mem>>) src(%dma_wait3A_144 : memref<80xi32, #tpu.memory_space<hbm>>) dst(%arg14 : memref<80xi32, #tpu.memory_space<vmem>>)
      %dma_wait3A_145 = arith.constant 0 : i32
      %dma_wait3A_146 = tpu.memref_slice %arg3[%add3A_142, %dma_wait3A_145] : memref<320000x128xf32, #tpu.memory_space<hbm>> -> memref<80x128xf32, #tpu.memory_space<hbm>>
      %dma_wait3A_147 = arith.constant 0 : i32
      %dma_wait3A_148 = tpu.memref_slice %arg3[%add3A_142, %dma_wait3A_147] : memref<320000x128xf32, #tpu.memory_space<hbm>> -> memref<80x128xf32, #tpu.memory_space<hbm>>
      tpu.wait_dma2 semaphore(%arg19 : memref<!tpu.dma_semaphore, #tpu.memory_space<semaphore_mem>>) src(%dma_wait3A_148 : memref<80x128xf32, #tpu.memory_space<hbm>>) dst(%arg10 : memref<80x128xf32, #tpu.memory_space<vmem>>)
      %dma_start3A_149 = arith.constant 0 : i32
      %dma_start3A_150 = arith.constant 0 : i32
      %dma_start3A_151 = tpu.memref_slice %arg6[%dma_start3A_149, %dma_start3A_150] : memref<10000x128xf32, #tpu.memory_space<vmem_shared>> -> memref<10000x128xf32, #tpu.memory_space<vmem_shared>>
      tpu.enqueue_indirect_dma source(%arg10 : memref<80x128xf32, #tpu.memory_space<vmem>>) target(%dma_start3A_151 : memref<10000x128xf32, #tpu.memory_space<vmem_shared>>) offsets(%arg14 : memref<80xi32, #tpu.memory_space<vmem>>) semaphore(%arg23 : memref<!tpu.dma_semaphore, #tpu.memory_space<semaphore_mem>>) {add = true}
      %ge3A_152 = arith.constant 1 : i32
      %ge3A_153 = arith.cmpi sge, %add3A_139, %ge3A_152 : i32
      %convert_element_type3A_154 = arith.extui %ge3A_153 : i1 to i32
      %cond3A_155 = arith.constant 0 : i32
      %cond3A_156 = arith.cmpi ne, %convert_element_type3A_154, %cond3A_155 : i32
      scf.if %cond3A_156 {
        %dma_wait3A_165 = arith.constant 0 : i32
        %dma_wait3A_166 = arith.constant 0 : i32
        %dma_wait3A_167 = tpu.memref_slice %arg6[%dma_wait3A_165, %dma_wait3A_166] : memref<10000x128xf32, #tpu.memory_space<vmem_shared>> -> memref<10000x128xf32, #tpu.memory_space<vmem_shared>>
        tpu.wait_indirect_dma semaphore(%arg22 : memref<!tpu.dma_semaphore, #tpu.memory_space<semaphore_mem>>) src(%arg9 : memref<80x128xf32, #tpu.memory_space<vmem>>) dst(%dma_wait3A_167 : memref<10000x128xf32, #tpu.memory_space<vmem_shared>>)
      } else {
      }
      %add3A_157 = arith.constant 3 : i32
      %add3A_158 = arith.addi %add3A_139, %add3A_157 : i32
      %lt3A_159 = arith.constant 124 : i32
      %lt3A_160 = arith.cmpi slt, %add3A_158, %lt3A_159 : i32
      %convert_element_type3A_161 = arith.extui %lt3A_160 : i1 to i32
      %cond3A_162 = arith.constant 0 : i32
      %cond3A_163 = arith.cmpi ne, %convert_element_type3A_161, %cond3A_162 : i32
      scf.if %cond3A_163 {
        %add3A_165 = arith.constant 3 : i32
        %add3A_166 = arith.addi %add3A_139, %add3A_165 : i32
        %mul3A_167 = arith.constant 80 : i32
        %mul3A_168 = arith.muli %add3A_166, %mul3A_167 : i32
        %add3A_169 = arith.addi %mul3A_2, %mul3A_168 : i32
        %dma_start3A_170 = tpu.memref_slice %arg4[%add3A_169] : memref<320000xi32, #tpu.memory_space<hbm>> -> memref<80xi32, #tpu.memory_space<hbm>>
        %dma_start3A_171 = tpu.memref_slice %arg4[%add3A_169] : memref<320000xi32, #tpu.memory_space<hbm>> -> memref<80xi32, #tpu.memory_space<hbm>>
        tpu.enqueue_dma source(%dma_start3A_171 : memref<80xi32, #tpu.memory_space<hbm>>) target(%arg13 : memref<80xi32, #tpu.memory_space<vmem>>) target_semaphore(%arg18 : memref<!tpu.dma_semaphore, #tpu.memory_space<semaphore_mem>>)
        %dma_start3A_172 = arith.constant 0 : i32
        %dma_start3A_173 = tpu.memref_slice %arg3[%add3A_169, %dma_start3A_172] : memref<320000x128xf32, #tpu.memory_space<hbm>> -> memref<80x128xf32, #tpu.memory_space<hbm>>
        %dma_start3A_174 = arith.constant 0 : i32
        %dma_start3A_175 = tpu.memref_slice %arg3[%add3A_169, %dma_start3A_174] : memref<320000x128xf32, #tpu.memory_space<hbm>> -> memref<80x128xf32, #tpu.memory_space<hbm>>
        tpu.enqueue_dma source(%dma_start3A_175 : memref<80x128xf32, #tpu.memory_space<hbm>>) target(%arg9 : memref<80x128xf32, #tpu.memory_space<vmem>>) target_semaphore(%arg18 : memref<!tpu.dma_semaphore, #tpu.memory_space<semaphore_mem>>)
      } else {
      }
      %scan3A_164 = arith.constant 0 : i32
      scf.yield %scan3A_164 : i32
    }
    %scan3A_37 = arith.constant 31 : i32
    %dma_wait3A = arith.constant 0 : i32
    %dma_wait3A_38 = arith.constant 0 : i32
    %dma_wait3A_39 = tpu.memref_slice %arg6[%dma_wait3A, %dma_wait3A_38] : memref<10000x128xf32, #tpu.memory_space<vmem_shared>> -> memref<10000x128xf32, #tpu.memory_space<vmem_shared>>
    tpu.wait_indirect_dma semaphore(%arg23 : memref<!tpu.dma_semaphore, #tpu.memory_space<semaphore_mem>>) src(%arg10 : memref<80x128xf32, #tpu.memory_space<vmem>>) dst(%dma_wait3A_39 : memref<10000x128xf32, #tpu.memory_space<vmem_shared>>)
    %add3A_40 = arith.constant 9920 : i32
    %add3A_41 = arith.addi %mul3A_2, %add3A_40 : i32
    "tpu.region"() ({
      %run_scoped3A = tpu.sem_alloc : memref<!tpu.dma_semaphore, #tpu.memory_space<semaphore_mem>>
      %dma_start3A_52 = tpu.memref_slice %arg4[%add3A_41] : memref<320000xi32, #tpu.memory_space<hbm>> -> memref<80xi32, #tpu.memory_space<hbm>>
      %dma_start3A_53 = tpu.memref_slice %arg4[%add3A_41] : memref<320000xi32, #tpu.memory_space<hbm>> -> memref<80xi32, #tpu.memory_space<hbm>>
      tpu.enqueue_dma source(%dma_start3A_53 : memref<80xi32, #tpu.memory_space<hbm>>) target(%arg11 : memref<80xi32, #tpu.memory_space<vmem>>) target_semaphore(%run_scoped3A : memref<!tpu.dma_semaphore, #tpu.memory_space<semaphore_mem>>)
      %dma_wait3A_54 = tpu.memref_slice %arg4[%add3A_41] : memref<320000xi32, #tpu.memory_space<hbm>> -> memref<80xi32, #tpu.memory_space<hbm>>
      %dma_wait3A_55 = tpu.memref_slice %arg4[%add3A_41] : memref<320000xi32, #tpu.memory_space<hbm>> -> memref<80xi32, #tpu.memory_space<hbm>>
      tpu.wait_dma2 semaphore(%run_scoped3A : memref<!tpu.dma_semaphore, #tpu.memory_space<semaphore_mem>>) src(%dma_wait3A_55 : memref<80xi32, #tpu.memory_space<hbm>>) dst(%arg11 : memref<80xi32, #tpu.memory_space<vmem>>)
      tpu.yield
    }) : () -> ()
    "tpu.region"() ({
      %run_scoped3A = tpu.sem_alloc : memref<!tpu.dma_semaphore, #tpu.memory_space<semaphore_mem>>
      %dma_start3A_52 = arith.constant 0 : i32
      %dma_start3A_53 = tpu.memref_slice %arg3[%add3A_41, %dma_start3A_52] : memref<320000x128xf32, #tpu.memory_space<hbm>> -> memref<80x128xf32, #tpu.memory_space<hbm>>
      %dma_start3A_54 = arith.constant 0 : i32
      %dma_start3A_55 = tpu.memref_slice %arg3[%add3A_41, %dma_start3A_54] : memref<320000x128xf32, #tpu.memory_space<hbm>> -> memref<80x128xf32, #tpu.memory_space<hbm>>
      tpu.enqueue_dma source(%dma_start3A_55 : memref<80x128xf32, #tpu.memory_space<hbm>>) target(%arg7 : memref<80x128xf32, #tpu.memory_space<vmem>>) target_semaphore(%run_scoped3A : memref<!tpu.dma_semaphore, #tpu.memory_space<semaphore_mem>>)
      %dma_wait3A_56 = arith.constant 0 : i32
      %dma_wait3A_57 = tpu.memref_slice %arg3[%add3A_41, %dma_wait3A_56] : memref<320000x128xf32, #tpu.memory_space<hbm>> -> memref<80x128xf32, #tpu.memory_space<hbm>>
      %dma_wait3A_58 = arith.constant 0 : i32
      %dma_wait3A_59 = tpu.memref_slice %arg3[%add3A_41, %dma_wait3A_58] : memref<320000x128xf32, #tpu.memory_space<hbm>> -> memref<80x128xf32, #tpu.memory_space<hbm>>
      tpu.wait_dma2 semaphore(%run_scoped3A : memref<!tpu.dma_semaphore, #tpu.memory_space<semaphore_mem>>) src(%dma_wait3A_59 : memref<80x128xf32, #tpu.memory_space<hbm>>) dst(%arg7 : memref<80x128xf32, #tpu.memory_space<vmem>>)
      tpu.yield
    }) : () -> ()
    "tpu.region"() ({
      %run_scoped3A = tpu.sem_alloc : memref<!tpu.dma_semaphore, #tpu.memory_space<semaphore_mem>>
      %dma_start3A_52 = arith.constant 0 : i32
      %dma_start3A_53 = arith.constant 0 : i32
      %dma_start3A_54 = tpu.memref_slice %arg6[%dma_start3A_52, %dma_start3A_53] : memref<10000x128xf32, #tpu.memory_space<vmem_shared>> -> memref<10000x128xf32, #tpu.memory_space<vmem_shared>>
      tpu.enqueue_indirect_dma source(%arg7 : memref<80x128xf32, #tpu.memory_space<vmem>>) target(%dma_start3A_54 : memref<10000x128xf32, #tpu.memory_space<vmem_shared>>) offsets(%arg11 : memref<80xi32, #tpu.memory_space<vmem>>) semaphore(%run_scoped3A : memref<!tpu.dma_semaphore, #tpu.memory_space<semaphore_mem>>) {add = true}
      %dma_wait3A_55 = arith.constant 0 : i32
      %dma_wait3A_56 = arith.constant 0 : i32
      %dma_wait3A_57 = tpu.memref_slice %arg6[%dma_wait3A_55, %dma_wait3A_56] : memref<10000x128xf32, #tpu.memory_space<vmem_shared>> -> memref<10000x128xf32, #tpu.memory_space<vmem_shared>>
      tpu.wait_indirect_dma semaphore(%run_scoped3A : memref<!tpu.dma_semaphore, #tpu.memory_space<semaphore_mem>>) src(%arg7 : memref<80x128xf32, #tpu.memory_space<vmem>>) dst(%dma_wait3A_57 : memref<10000x128xf32, #tpu.memory_space<vmem_shared>>)
      tpu.yield
    }) : () -> ()
    %barrier3A_42 = arith.constant 0 : index
    tpu.barrier barrier_id(%barrier3A_42)
    %mul3A_43 = arith.constant 624 : i32
    %mul3A_44 = arith.muli %arg1, %mul3A_43 : i32
    %mul3A_45 = arith.constant 624 : i32
    %mul3A_46 = arith.muli %arg1, %mul3A_45 : i32
    "tpu.region"() ({
      %run_scoped3A = tpu.sem_alloc : memref<!tpu.dma_semaphore, #tpu.memory_space<semaphore_mem>>
      %dma_start3A_52 = arith.constant 0 : i32
      %dma_start3A_53 = tpu.memref_slice %arg5[%arg0, %mul3A_46, %dma_start3A_52] : memref<2x10000x128xf32, #tpu.memory_space<hbm>> -> memref<1x624x128xf32, #tpu.memory_space<hbm>>
      %dma_start3A_54 = tpu.memref_squeeze %dma_start3A_53 : memref<1x624x128xf32, #tpu.memory_space<hbm>> -> memref<624x128xf32, #tpu.memory_space<hbm>>
      %dma_start3A_55 = arith.constant 0 : i32
      %dma_start3A_56 = tpu.memref_slice %arg6[%mul3A_44, %dma_start3A_55] : memref<10000x128xf32, #tpu.memory_space<vmem_shared>> -> memref<624x128xf32, #tpu.memory_space<vmem_shared>>
      tpu.enqueue_dma source(%dma_start3A_56 : memref<624x128xf32, #tpu.memory_space<vmem_shared>>) target(%dma_start3A_54 : memref<624x128xf32, #tpu.memory_space<hbm>>) target_semaphore(%run_scoped3A : memref<!tpu.dma_semaphore, #tpu.memory_space<semaphore_mem>>)
      %dma_wait3A_57 = arith.constant 0 : i32
      %dma_wait3A_58 = tpu.memref_slice %arg5[%arg0, %mul3A_46, %dma_wait3A_57] : memref<2x10000x128xf32, #tpu.memory_space<hbm>> -> memref<1x624x128xf32, #tpu.memory_space<hbm>>
      %dma_wait3A_59 = tpu.memref_squeeze %dma_wait3A_58 : memref<1x624x128xf32, #tpu.memory_space<hbm>> -> memref<624x128xf32, #tpu.memory_space<hbm>>
      %dma_wait3A_60 = arith.constant 0 : i32
      %dma_wait3A_61 = tpu.memref_slice %arg6[%mul3A_44, %dma_wait3A_60] : memref<10000x128xf32, #tpu.memory_space<vmem_shared>> -> memref<624x128xf32, #tpu.memory_space<vmem_shared>>
      tpu.wait_dma2 semaphore(%run_scoped3A : memref<!tpu.dma_semaphore, #tpu.memory_space<semaphore_mem>>) src(%dma_wait3A_61 : memref<624x128xf32, #tpu.memory_space<vmem_shared>>) dst(%dma_wait3A_59 : memref<624x128xf32, #tpu.memory_space<hbm>>)
      tpu.yield
    }) : () -> ()
    %eq3A_47 = arith.constant 0 : i32
    %eq3A_48 = arith.cmpi eq, %arg1, %eq3A_47 : i32
    %convert_element_type3A_49 = arith.extui %eq3A_48 : i1 to i32
    %cond3A_50 = arith.constant 0 : i32
    %cond3A_51 = arith.cmpi ne, %convert_element_type3A_49, %cond3A_50 : i32
    scf.if %cond3A_51 {
      "tpu.region"() ({
        %run_scoped3A = tpu.sem_alloc : memref<!tpu.dma_semaphore, #tpu.memory_space<semaphore_mem>>
        %dma_start3A_52 = arith.constant 9984 : i32
        %dma_start3A_53 = arith.constant 0 : i32
        %dma_start3A_54 = tpu.memref_slice %arg5[%arg0, %dma_start3A_52, %dma_start3A_53] : memref<2x10000x128xf32, #tpu.memory_space<hbm>> -> memref<1x16x128xf32, #tpu.memory_space<hbm>>
        %dma_start3A_55 = tpu.memref_squeeze %dma_start3A_54 : memref<1x16x128xf32, #tpu.memory_space<hbm>> -> memref<16x128xf32, #tpu.memory_space<hbm>>
        %dma_start3A_56 = arith.constant 9984 : i32
        %dma_start3A_57 = arith.constant 0 : i32
        %dma_start3A_58 = tpu.memref_slice %arg6[%dma_start3A_56, %dma_start3A_57] : memref<10000x128xf32, #tpu.memory_space<vmem_shared>> -> memref<16x128xf32, #tpu.memory_space<vmem_shared>>
        tpu.enqueue_dma source(%dma_start3A_58 : memref<16x128xf32, #tpu.memory_space<vmem_shared>>) target(%dma_start3A_55 : memref<16x128xf32, #tpu.memory_space<hbm>>) target_semaphore(%run_scoped3A : memref<!tpu.dma_semaphore, #tpu.memory_space<semaphore_mem>>)
        %dma_wait3A_59 = arith.constant 9984 : i32
        %dma_wait3A_60 = arith.constant 0 : i32
        %dma_wait3A_61 = tpu.memref_slice %arg5[%arg0, %dma_wait3A_59, %dma_wait3A_60] : memref<2x10000x128xf32, #tpu.memory_space<hbm>> -> memref<1x16x128xf32, #tpu.memory_space<hbm>>
        %dma_wait3A_62 = tpu.memref_squeeze %dma_wait3A_61 : memref<1x16x128xf32, #tpu.memory_space<hbm>> -> memref<16x128xf32, #tpu.memory_space<hbm>>
        %dma_wait3A_63 = arith.constant 9984 : i32
        %dma_wait3A_64 = arith.constant 0 : i32
        %dma_wait3A_65 = tpu.memref_slice %arg6[%dma_wait3A_63, %dma_wait3A_64] : memref<10000x128xf32, #tpu.memory_space<vmem_shared>> -> memref<16x128xf32, #tpu.memory_space<vmem_shared>>
        tpu.wait_dma2 semaphore(%run_scoped3A : memref<!tpu.dma_semaphore, #tpu.memory_space<semaphore_mem>>) src(%dma_wait3A_65 : memref<16x128xf32, #tpu.memory_space<vmem_shared>>) dst(%dma_wait3A_62 : memref<16x128xf32, #tpu.memory_space<hbm>>)
        tpu.yield
      }) : () -> ()
    } else {
    }
    return
  }
}

module attributes {stable_mosaic.version = 14 : i64} {
  func.func @_combine_body(%arg0: i32, %arg1: memref<2x5000x128xf32, #tpu.memory_space<vmem>>, %arg2: memref<5000x128xf32, #tpu.memory_space<vmem>>) attributes {dimension_semantics = [#tpu.dimension_semantics<arbitrary>], iteration_bounds = array<i64: 2>, scalar_prefetch = 0 : i64, scratch_operands = 0 : i64, tpu.core_type = #tpu.core_type<tc>, window_params = [{transform_indices = @transform_0, window_bounds = array<i64: 2, 5000, 128>}, {transform_indices = @transform_1, window_bounds = array<i64: 5000, 128>}]} {
    %get3A = arith.constant 0 : index
    %get3A_0 = arith.constant 0 : index
    %get3A_1 = arith.constant 0 : index
    %get3A_2 = vector.load %arg1[%get3A, %get3A_0, %get3A_1] : memref<2x5000x128xf32, #tpu.memory_space<vmem>>, vector<1x5000x128xf32>
    %get3A_3 = vector.shape_cast %get3A_2 : vector<1x5000x128xf32> to vector<5000x128xf32>
    %get3A_4 = arith.constant 1 : index
    %get3A_5 = arith.constant 0 : index
    %get3A_6 = arith.constant 0 : index
    %get3A_7 = vector.load %arg1[%get3A_4, %get3A_5, %get3A_6] : memref<2x5000x128xf32, #tpu.memory_space<vmem>>, vector<1x5000x128xf32>
    %get3A_8 = vector.shape_cast %get3A_7 : vector<1x5000x128xf32> to vector<5000x128xf32>
    %add3A = arith.addf %get3A_3, %get3A_8 : vector<5000x128xf32>
    %swap3A = arith.constant 0 : index
    %swap3A_9 = arith.constant 0 : index
    %swap3A_10 = vector.load %arg2[%swap3A, %swap3A_9] : memref<5000x128xf32, #tpu.memory_space<vmem>>, vector<5000x128xf32>
    tpu.vector_store %arg2[%swap3A, %swap3A_9], %add3A {strides = array<i32>} : memref<5000x128xf32, #tpu.memory_space<vmem>>, vector<5000x128xf32>,
    return
  }
  func.func @transform_0(%arg0: i32) -> (i32, i32, i32) {
    %c0_i32 = arith.constant 0 : i32
    %c0_i32_0 = arith.constant 0 : i32
    %c0_i32_1 = arith.constant 0 : i32
    return %c0_i32, %arg0, %c0_i32_0 : i32, i32, i32
  }
  func.func @transform_1(%arg0: i32) -> (i32, i32) {
    %c0_i32 = arith.constant 0 : i32
    %c0_i32_0 = arith.constant 0 : i32
    return %arg0, %c0_i32 : i32, i32
  }
}

</mosaic_0001>

<sc_bundles>
// kernel: kernel.4.cloned.1.call-start
scs
__scs_entry_jumppad:
0x0: {  	(pc) =	sbr.rel $0x88, $3  }
0x1: {  	(tag) =	ssettag $0x0;
	lr =	simm.s32 $0x1  }
0x2: {  	[smem:$0x3F9E] =	sst lr;
	_ =	strace $0xD0000000  }
0x3: {  	_ = 	snop  }
0x4: {  	_ = 	snop  }
0x5: {  	_ = 	snop  }
0x6: {  	_ = 	snop  }
0x7: {  	_ = 	snop  }
__scs_overlays_trampoline_lowered:
0x8: {  	[smem:$0x3FAD] =	sst s0  }
0x9: {  	[smem:$0x3FAE] =	sst s1  }
0xa: {  	[smem:$0x3FAF] =	sst s2  }
0xb: {  	[smem:$0x3FB0] =	sst s3  }
0xc: {  	[smem:$0x3FB1] =	sst s4  }
0xd: {  	[smem:$0x3FB2] =	sst s5  }
0xe: {  	[smem:$0x3FB3] =	sst s6  }
0xf: {  	[smem:$0x3FB4] =	sst s7  }
0x10: {  	[smem:$0x3FB5] =	sst s8  }
0x11: {  	[smem:$0x3FB6] =	sst s9;
	s0 =	simm.s32 @!p0 $0x0  }
0x12: {  	s1 =	sld [smem:$0x3F9C];
	s0 =	simm.s32 @p0 $0x1  }
0x13: {  	[smem:$0x3FB7] =	sst s0;
	s0 =	simm.s32 @!p1 $0x0  }
0x14: {  	s2 =	sld [smem:$0x3F9B];
	s0 =	simm.s32 @p1 $0x1  }
0x15: {  	[smem:$0x3FB8] =	sst s0;
	s0 =	simm.s32 @!p2 $0x0  }
0x16: {  	s3 =	sld [smem:$0x3FDB];
	s0 =	simm.s32 @p2 $0x1  }
0x17: {  	s4 =	simm.s32 $0x1BF5;
	[smem:$0x3FBA] =	sst s0  }
0x18: {  	s0 =	sld [smem:$0x3F9D];
	_ =	swait.ge [sflag:s4], $0x0  }
0x19: {  	s7 =	sld [smem:$0x3F9E]  }
0x1a: {  	s8 =	sadd.s32 $0xFFFFE003, lr  }
0x1b: {  	s9 =	sadd.s32 $0xFFFFFEF7, lr;
	s5 =	simm.s32 $0xFFFFFFFF;
	p2 =	slt.u32 s8, $0xFFFFF086  }
0x1c: {  	p1 =	slt.u32 s9, $0xF7A;
	s5 =	simm.s32 @!p2 $0x0  }
0x1d: {  	s5 =	simm.s32 @p1 $0x1;
	p0 =	seq.s32 s7, s2  }
0x1e: {  	s7 =	smul.u32 @!p0 $0xF7A, s2;
	p2 =	seq.s32 @!p0 s5, $0x0  }
0x1f: {  	s9 =	smul.u32 $0xF7A, s1;
	s8 =	simm.s32 @!p0 $0x1BF5;
	p2 =	por !p2, p0  }
0x20: {  	[sflag:s8] =	ssyncset.s32 @!p0 $0xFFFFF086;
	s6 =	sadd.s32 @!p0 s3, s7;
	s7 =	simm.s32 @!p0 $0x108  }
0x21: {  	s3 =	sadd.s32 s3, s9;
	s6 =	sadd.s32 @!p0 $0x88, s6;
	s7 =	simm.s32 @p2 $0x1082  }
0x22: {  	[simem:s7], [sflag:s8] =	dma.local @!p0 [hbm:s6], $0xF7A  }
0x23: {  	s9 =	sor.u32 $0xD0000000, s2;
	s6 =	simm.s32 $0x108;
	_ =	swait.ge @!p0 [sflag:s8], $0x0  }
0x24: {  	s3 =	sadd.s32 $0x88, s3;
	s6 =	simm.s32 @!p1 $0x1082;
	[sflag:s4] =	ssyncset.s32 $0xFFFFF086  }
0x25: {  	[simem:s6], [sflag:s4] =	dma.local [hbm:s3], $0xF7A  }
0x26: {  	[smem:$0x3F9E] =	sst s1;
	(tag) =	ssettag s2;
	_ =	strace s9  }
0x27: {  	s1 =	sld [smem:$0x3FAE]  }
0x28: {  	s2 =	sld [smem:$0x3FAF]  }
0x29: {  	s4 =	sld [smem:$0x3FB1]  }
0x2a: {  	p0 =	seq.s32 s5, $0x0;
	s5 =	sld [smem:$0x3FB2]  }
0x2b: {  	s6 =	sld [smem:$0x3FB3]  }
0x2c: {  	s7 =	sld [smem:$0x3FB4]  }
0x2d: {  	s3 =	simm.s32 $0x108;
	s8 =	sld [smem:$0x3FB5]  }
0x2e: {  	s3 =	simm.s32 @!p0 $0x1082;
	s9 =	sld [smem:$0x3FB6]  }
0x2f: {  	lr =	sadd.s32 s0, s3;
	s0 =	sld [smem:$0x3FAD]  }
0x30: {  	s3 =	sld [smem:$0x3FB0]  }
0x31: {  	[smem:$0x3FB9] =	sst s10  }
0x32: {  	s10 =	sld [smem:$0x3FB7];
	_ =	sdelay $0x3  }
0x33: {  	p0 =	seq.s32 s10, $0x1;
	s10 =	sld [smem:$0x3FB9];
	_ =	sdelay $0x3  }
0x34: {  	[smem:$0x3FB9] =	sst s10  }
0x35: {  	s10 =	sld [smem:$0x3FB8];
	_ =	sdelay $0x3  }
0x36: {  	p1 =	seq.s32 s10, $0x1;
	s10 =	sld [smem:$0x3FB9];
	_ =	sdelay $0x3  }
0x37: {  	[smem:$0x3FB9] =	sst s10  }
0x38: {  	s10 =	sld [smem:$0x3FBA]  }
0x39: {  	_ = 	snop;
	(pc) =	sbr.ind lr, $3  }
0x3a: {  	_ = 	snop  }
0x3b: {  	_ = 	snop  }
0x3c: {  	p2 =	seq.s32 s10, $0x1;
	s10 =	sld [smem:$0x3FB9]  }
0x3d: {  	_ =	shalt  }
0x3e: {  	_ =	shalt  }
0x3f: {  	_ =	shalt  }
0x40: {  	_ =	shalt  }
0x41: {  	_ =	shalt  }
0x42: {  	_ =	shalt  }
0x43: {  	_ =	shalt  }
0x44: {  	_ =	shalt  }
0x45: {  	_ =	shalt  }
0x46: {  	_ =	shalt  }
0x47: {  	_ =	shalt  }
0x48: {  	_ =	shalt  }
0x49: {  	_ =	shalt  }
0x4a: {  	_ =	shalt  }
0x4b: {  	_ =	shalt  }
0x4c: {  	_ =	shalt  }
0x4d: {  	_ =	shalt  }
0x4e: {  	_ =	shalt  }
0x4f: {  	_ =	shalt  }
0x50: {  	_ =	shalt  }
0x51: {  	_ =	shalt  }
0x52: {  	_ =	shalt  }
0x53: {  	_ =	shalt  }
0x54: {  	_ =	shalt  }
0x55: {  	_ =	shalt  }
0x56: {  	_ =	shalt  }
0x57: {  	_ =	shalt  }
0x58: {  	_ =	shalt  }
0x59: {  	_ =	shalt  }
0x5a: {  	_ =	shalt  }
0x5b: {  	_ =	shalt  }
0x5c: {  	_ =	shalt  }
0x5d: {  	_ =	shalt  }
0x5e: {  	_ =	shalt  }
0x5f: {  	_ =	shalt  }
0x60: {  	_ =	shalt  }
0x61: {  	_ =	shalt  }
0x62: {  	_ =	shalt  }
0x63: {  	_ =	shalt  }
0x64: {  	_ =	shalt  }
0x65: {  	_ =	shalt  }
0x66: {  	_ =	shalt  }
0x67: {  	_ =	shalt  }
0x68: {  	_ =	shalt  }
0x69: {  	_ =	shalt  }
0x6a: {  	_ =	shalt  }
0x6b: {  	_ =	shalt  }
0x6c: {  	_ =	shalt  }
0x6d: {  	_ =	shalt  }
0x6e: {  	_ =	shalt  }
0x6f: {  	_ =	shalt  }
0x70: {  	_ =	shalt  }
0x71: {  	_ =	shalt  }
0x72: {  	_ =	shalt  }
0x73: {  	_ =	shalt  }
0x74: {  	_ =	shalt  }
0x75: {  	_ =	shalt  }
0x76: {  	_ =	shalt  }
0x77: {  	_ =	shalt  }
0x78: {  	_ =	shalt  }
0x79: {  	_ =	shalt  }
0x7a: {  	_ =	shalt  }
0x7b: {  	_ =	shalt  }
0x7c: {  	_ =	shalt  }
0x7d: {  	_ =	shalt  }
0x7e: {  	_ =	shalt  }
0x7f: {  	_ =	shalt  }
0x80: {  	_ =	shalt  }
0x81: {  	_ =	shalt  }
0x82: {  	_ =	shalt  }
0x83: {  	_ =	shalt  }
0x84: {  	_ =	shalt  }
0x85: {  	_ =	shalt  }
0x86: {  	_ =	shalt  }
0x87: {  	_ =	shalt  }
.Lfunc_end0:
.L_simem_size_0:
called_computation_lowered:
.L_overlay_start_0:
0x88: {  	s2 =	sld [smem:$0x3FD9]  }
0x89: {  	s3 =	sld [smem:$0x3FFE];
	_ =	sdelay $0x1  }
0x8a: {  	s1 =	srdreg.scid  }
0x8b: {  	s0 =	sand.u32 $0x1, s1  }
0x8c: {  	s17 =	sshll.u32 s0, $0xA;
	s2 =	sadd.s32 s3, s2  }
0x8d: {  	s2 =	sadd.s32 s2, s17  }
0x8e: {  	[smem:$0x3FC5] =	sst s2  }
0x8f: {  	_ = 	snop  }
0x90: {  	s2 =	sld [smem:$0x3FC9]  }
0x91: {  	s18 =	sld [smem:$0x3FC8]  }
0x92: {  	s4 =	sld [smem:$0x3FC7];
	(tm) =	ssettm $0x1  }
0x93: {  	s5 =	sld [smem:$0x3FFB];
	_ =	sdelay $0x3  }
0x94: {  	_ =	strace s5  }
0x95: {  	s5 =	sld [smem:$0x3FFC];
	_ =	sdelay $0x3  }
0x96: {  	_ =	strace s5  }
0x97: {  	s5 =	sld [smem:$0x3FFD];
	_ =	sdelay $0x3  }
0x98: {  	_ =	strace s5  }
0x99: {  	_ =	strace $0x8FFFFFFF  }
0x9a: {  	s19 =	sld [smem:$0x3FDB];
	_ =	sdelay $0x1  }
0x9b: {  	s6 =	simm.s32 $_scs_section_size  }
0x9c: {  	s7 =	simm.s32 $_size__tile_overlayer_lowered;
	s8 =	simm.s32 $_tile_overlayer_lowered  }
0x9d: {  	s22 =	simm.s32 $0x1BFF;
	s21 =	sshll.u32 s8, $0x1;
	s5 =	sadd.s32 s6, s19  }
0x9e: {  	s9 =	simm.s32 $0x0;
	s20 =	sshll.u32 s7, $0x1;
	s7 =	sadd.s32 s21, s5  }
0x9f: {  	[timem:s9], [sflag:s22] =	dma.local [hbm:s7], s20  }
0xa0: {  	_ =	swait.ge [sflag:s22], s20  }
0xa1: {  	s6 =	ssub.s32 $0x0, s20;
	[sflag:s22] =	ssyncset.done $0x0  }
0xa2: {  	[sflag:s22] =	ssyncadd.s32 s6;
	_ =	sdelay $0x1  }
0xa3: {  	s23 =	simm.s32 $0x1B8B  }
0xa4: {  	_ =	swait.ge [sflag:s23], $0x1  }
0xa5: {  	[sflag:s23] =	ssyncset.done $0x0  }
0xa6: {  	s25 =	simm.s32 $0x1B8E;
	s24 =	sld [smem:$0x3FFE];
	[sflag:s23] =	ssyncadd.s32 $0xFFFFFFFF  }
0xa7: {  	s26 =	simm.s32 $execute0_lowered;
	[smem:$0x3FD2] =	sst s25  }
0xa8: {  	s7 =	sshll.u32 s26, $0x1;
	_ =	strace $0x80000046;
	[dreg:$0x1] =	wrdreg $0xFFFFFFFF  }
0xa9: {  	s28 =	simm.s32 $_size_execute0_lowered;
	s5 =	sadd.s32 s5, s7;
	[dreg:$0x0] =	wrdreg $0x0  }
0xaa: {  	s7 =	sshll.u32 s28, $0x1;
	[dreg:$0x2] =	wrdreg s5  }
0xab: {  	[dreg:$0x3] =	wrdreg s7  }
0xac: {  	[dreg:$0x4] =	wrdreg $0xC0  }
0xad: {  	_ =	task [dreg:s9], $0x5FFFF  }
0xae: {  	[dreg:$0x1] =	wrdreg $0xFFFFFFFF  }
0xaf: {  	[dreg:$0x0] =	wrdreg $0x60  }
0xb0: {  	[dreg:$0x2] =	wrdreg s2  }
0xb1: {  	[dreg:$0x3] =	wrdreg s18  }
0xb2: {  	[dreg:$0x4] =	wrdreg s4  }
0xb3: {  	[dreg:$0x5] =	wrdreg s24  }
0xb4: {  	[dreg:$0x6] =	wrdreg $0x0  }
0xb5: {  	[dreg:$0x7] =	wrdreg $0x9  }
0xb6: {  	_ =	task.clear_ibuf [dreg:s9], $0x8FFFF;
	_ =	strace $0x90000046  }
0xb7: {  	s29 =	simm.s32 $0x9;
	_ =	strace $0x80000048  }
0xb8: {  	_ =	swait.ge [sflag:s29], $0x1  }
0xb9: {  	[sflag:s29] =	ssyncadd.s32 $0xFFFFFFFF  }
0xba: {  	_ =	strace $0x90000048  }
0xbb: {  	_ =	sfence  }
0xbc: {  	s30 =	sld [smem:$0x0];
	_ =	sdelay $0x2  }
0xbd: {  	s31 =	sshll.u32 s1, $0xD;
	s1 =	sshrl.u32 s1, $0x2  }
0xbe: {  	s3 =	sand.u32 $0x4000, s31;
	s1 =	sadd.s32 s1, s30  }
0xbf: {  	s0 =	sor.u32 s3, s0;
	s1 =	sshll.u32 s1, $0x11  }
0xc0: {  	s0 =	sor.u32 s1, s0  }
0xc1: {  	s0 =	sadd.s32 $0x8F2B, s0  }
0xc2: {  	[sflag:s0] =	ssyncadd.remote.s32 $0x1  }
0xc3: {  	_ =	sfence.sel $0xFFFF  }
0xc4: {  	[dreg:$0x0] =	wrdreg $0xFFFFFFFF;
	(pc) =	sbr.abs _section_cstart, $3  }
0xc5: {  	[dreg:$0x1] =	wrdreg $0xFFFFFFFF  }
0xc6: {  	_ =	task.clear_ibuf [dreg:s9], $0x2FFFF;
	_ =	strace $0x9FFFFFFF  }
0xc7: {  	(tm) =	ssettm $0x7FFFFFFF  }
tec
execute0_lowered:
.L_overlay_start_1:
0x0: {  	(tag) =	ssettag $0x1  }
0x1: {  	s0 =	rddreg [dreg:$0x0]  }
0x2: {  	s4 =	rddreg [dreg:$0x1]  }
0x3: {  	s1 =	rddreg [dreg:$0x2]  }
0x4: {  	s5 =	rddreg [dreg:$0x3]  }
0x5: {  	s2 =	rddreg [dreg:$0x4];
	s3 =	srdreg.scid  }
0x6: {  	s13 =	stileid.u32;
	s28 =	simm.s32 $0x1D980;
	s29 =	simm.s32 $0x18880  }
0x7: {  	s30 =	simm.s32 $0x9;
	s31 =	simm.s32 $0x1;
	s6 =	sand.u32 $0x1, s3  }
0x8: {  	s3 =	simm.s32 $0x0;
	s5 =	sadd.s32 $0x600, s5;
	s12 =	smul.u32 $0x4E000, s13  }
0x9: {  	s25 =	smul.u32 $0x2700, s13;
	p1 =	sne.s32 s13, $0x0;
	s7 =	sshll.u32 s6, $0x4  }
0xa: {  	[smem:$0x7FF] =	sst s3;
	s8 =	ssub.s32 $0x2, s6;
	s26 =	smul.u32 $0x138800, s6  }
0xb: {  	p0 =	sne.s32 s6, $0x0;
	s7 =	sor.u32 s13, s7;
	_ =	strace $0x80000047  }
0xc: {  	s10 =	sshrl.u32 s8, $0x1;
	s24 =	sshrl.u32 s12, $0x2;
	s9 =	smul.u32 $0x2710, s7  }
0xd: {  	s7 =	smul.u32 $0x27100, s7;
	s8 =	ssub.s32 s8, s10;
	s14 =	sadd.s32 s24, s2  }
0xe: {  	s15 =	sadd.s32 $0x4000, s14;
	s8 =	smax.u32 s8, $0x1;
	[dreg:$0xc] =	wrdreg s14  }
0xf: {  	s17 =	sshrl.u32 s9, $0x3;
	s11 =	sadd.s32 $0x50, s9;
	s7 =	sadd.s32 s4, s7  }
0x10: {  	s20 =	sadd.s32 $0xA0, s9;
	s9 =	sadd.s32 $0x26C0, s9;
	[dreg:$0xe] =	wrdreg s15  }
0x11: {  	[dreg:$0x15] =	wrdreg s8;
	s8 =	simm.s32 $0x4;
	s10 =	sadd.s32 s1, s17  }
0x12: {  	[dreg:$0x7] =	wrdreg s7;
	s18 =	sshrl.u32 s11, $0x3;
	s19 =	sshll.u32 s11, $0x4  }
0x13: {  	s22 =	sshrl.u32 s20, $0x3;
	s23 =	sshll.u32 s20, $0x4;
	s16 =	sshrl.u32 s9, $0x3  }
0x14: {  	s17 =	smul.u32 $0x13800, s13;
	[dreg:$0x6] =	wrdreg s10;
	s7 =	sadd.s32 s1, s18  }
0x15: {  	s21 =	sadd.s32 s4, s19;
	s10 =	sadd.s32 $0x2000, s14;
	[dreg:$0x8] =	wrdreg s7  }
0x16: {  	s18 =	sadd.s32 s1, s16;
	s19 =	sshll.u32 s9, $0x4;
	[dreg:$0x9] =	wrdreg s21  }
0x17: {  	s9 =	simm.s32 $0x7;
	s7 =	sadd.s32 s1, s22;
	[dreg:$0xd] =	wrdreg s10  }
0x18: {  	[dreg:$0x11] =	wrdreg s18;
	s20 =	sadd.s32 s17, s26;
	s21 =	smul.u32 $0x27100, s6  }
0x19: {  	s10 =	sshrl.u32 s26, $0x3;
	s18 =	sadd.s32 $0x6000, s14;
	[dreg:$0xa] =	wrdreg s7  }
0x1a: {  	s22 =	smul.u32 $0x2710, s13;
	s7 =	sadd.s32 s4, s23;
	[dreg:$0x1a] =	wrdreg s18  }
0x1b: {  	s23 =	smul.u32 $0x271000, s6;
	s6 =	simm.s32 $0x2;
	[dreg:$0xb] =	wrdreg s7  }
0x1c: {  	s7 =	sadd.s32 s0, s25;
	s0 =	sadd.s32 $0x27000, s0;
	s24 =	sadd.s32 s22, s21  }
0x1d: {  	s25 =	smul.u32 $0x27100, s13;
	s22 =	sadd.s32 $0xC000, s14;
	[dreg:$0xf] =	wrdreg s7  }
0x1e: {  	[dreg:$0x10] =	wrdreg s0;
	s7 =	sshrl.u32 s20, $0x3;
	s0 =	sadd.s32 s4, s19  }
0x1f: {  	s4 =	sadd.s32 s23, s4;
	s26 =	sadd.s32 $0x1E0, s24;
	s11 =	sadd.s32 $0x190, s24  }
0x20: {  	s12 =	sadd.s32 $0xF0, s24;
	s19 =	sadd.s32 $0x8000, s14;
	[dreg:$0x1d] =	wrdreg s22  }
0x21: {  	s20 =	sadd.s32 $0xA000, s14;
	s23 =	sadd.s32 $0xE000, s14;
	[dreg:$0x13] =	wrdreg s0  }
0x22: {  	s7 =	sadd.s32 s5, s7;
	s5 =	sadd.s32 s5, s10;
	[dreg:$0x1b] =	wrdreg s19  }
0x23: {  	s21 =	sadd.s32 s25, s4;
	s10 =	sshrl.u32 s26, $0x3;
	[dreg:$0x1c] =	wrdreg s20  }
0x24: {  	s15 =	sshrl.u32 s11, $0x3;
	s16 =	sshrl.u32 s12, $0x3;
	[dreg:$0x1e] =	wrdreg s23  }
0x25: {  	s0 =	sadd.s32 $0x140, s24;
	s24 =	sadd.s32 $0x10000, s14;
	[dreg:$0x12] =	wrdreg s7  }
0x26: {  	s25 =	sadd.s32 $0x12000, s14;
	s26 =	sadd.s32 $0x138000, s2;
	[dreg:$0x18] =	wrdreg s0  }
0x27: {  	s14 =	simm.s32 $0x1D880;
	s12 =	simm.s32 $0x1DA00;
	[dreg:$0x1f] =	wrdreg s24  }
0x28: {  	s5 =	sadd.s32 $0x27000, s5;
	s4 =	sadd.s32 s10, s1;
	[smem:$0x7FC] =	sst s25  }
.Ltmp0:
0x29: {  	s17 =	sadd.s32 s16, s1;
	[smem:$0x7FD] =	sst s26;
	(pc) =	sbr.rel .LBB2_1-.Ltmp0, $4  }
0x2a: {  	s26 =	simm.s32 $0x16080;
	s0 =	simm.s32 $0x50;
	[dreg:$0x14] =	wrdreg s5  }
0x2b: {  	s7 =	simm.s32 $0x5;
	[dreg:$0x16] =	wrdreg s4;
	s4 =	sadd.s32 s15, s1  }
0x2c: {  	[dreg:$0x19] =	wrdreg s17;
	s15 =	simm.s32 $0x13880;
	s5 =	simm.s32 $0x1B080  }
0x2d: {  	v0 =	vimm.f32 $0.0e+00;
	s17 =	simm.s32 $0x0;
	[dreg:$0x17] =	wrdreg s4;
	s4 =	simm.s32 $0x1D900  }
.LBB2_9:
0x2e: {  	s10 =	simm.s32 $0x8  }
0x2f: {  	_ =	swait.ge [sflag:s10], $0x2800  }
0x30: {  	[sflag:s10] =	ssyncset.done $0x0  }
0x31: {  	s22 =	rddreg [dreg:$0x11];
	[sflag:s10] =	ssyncadd.s32 $0xFFFFD800  }
0x32: {  	[tilespmem:s14], [sflag:$0x9] =	stream.linear.gather [hbm4b:s22+s3], $0x50, $0x38;
	[tilespmem:$0x1FA80] =	vst v63  }
0x33: {  	_ =	swait.ge [sflag:s30], $0x50  }
0x34: {  	[sflag:s30] =	ssyncset.done $0x0  }
0x35: {  	s23 =	rddreg [dreg:$0x13];
	[sflag:s30] =	ssyncadd.s32 $0xFFFFFFB0  }
0x36: {  	[tilespmem:s15], [sflag:$0x9] =	stream.linear.gather [hbm4b:s23+s3], $0x2800, $0x38;
	[tilespmem:$0x1FA80] =	vst v63  }
0x37: {  	_ =	swait.ge [sflag:s30], $0x2800  }
0x38: {  	[sflag:s30] =	ssyncset.done $0x0  }
0x39: {  	[sflag:s30] =	ssyncadd.s32 $0xFFFFD800  }
0x3a: {  	[spmem:s2] =	stream.indirect.scatter.add.f32 [tilespmem:s15], [sflag:$0x9], $0x80, s14, s0, $0xb8;
	[tilespmem:$0x1FA80] =	vst v63  }
0x3b: {  	_ =	swait.ge [sflag:s30], $0x2800  }
0x3c: {  	[sflag:s30] =	ssyncset.done $0x0  }
0x3d: {  	[sflag:s30] =	ssyncadd.s32 $0xFFFFD800  }
0x3e: {  	[bflag:$0x0] =	sbarrier.arrive $0xFFFF  }
0x3f: {  	s13 =	sld [smem:$0x7FA]  }
0x40: {  	s11 =	sld [smem:$0x7FB];
	_ =	sdelay $0x1  }
0x41: {  	s24 =	rddreg [dreg:$0x12]  }
0x42: {  	[hbm:s24], [sflag:s13] =	dma.local [spmem:s11], $0x2700  }
0x43: {  	_ =	swait.ge [sflag:s30], $0x2700  }
0x44: {  	s11 =	sld [smem:$0x7F9]  }
0x45: {  	[sflag:s30] =	ssyncset.done $0x0  }
0x46: {  	s10 =	rddreg [dreg:$0x14];
	[sflag:s30] =	ssyncadd.s32 $0xFFFFD900  }
0x47: {  	[hbm:s10], [sflag:s13] =	dma.local @!p1 [spmem:s11], $0x100  }
0x48: {  	s10 =	simm.s32 @!p1 $0x9  }
0x49: {  	_ =	swait.ge @!p1 [sflag:s10], $0x100  }
0x4a: {  	s17 =	sadd.s32 $0x1, s17;
	s25 =	rddreg [dreg:$0x15]  }
0x4b: {  	p2 =	sne.s32 s17, s25  }
.Ltmp1:
0x4c: {  	_ = 	snop;
	(pc) =	sbr.rel @!p2 .LBB2_10-.Ltmp1, $3  }
0x4d: {  	_ =	sdelay $0x1  }
0x4e: {  	[sflag:s10] =	ssyncset.done @!p1 $0x0  }
0x4f: {  	[sflag:s10] =	ssyncadd.s32 @!p1 $0xFFFFFF00  }
.LBB2_1:
0x50: {  	s10 =	rddreg [dreg:$0x6]  }
0x51: {  	s18 =	rddreg [dreg:$0x7]  }
0x52: {  	s19 =	rddreg [dreg:$0x8]  }
0x53: {  	s20 =	rddreg [dreg:$0x9]  }
0x54: {  	s22 =	rddreg [dreg:$0xa]  }
0x55: {  	[tilespmem:s14], [sflag:$0x1] =	stream.linear.gather [hbm4b:s10+s3], $0x50, $0x38;
	[tilespmem:$0x1FA80] =	vst v63  }
0x56: {  	s23 =	rddreg [dreg:$0xb];
	s24 =	stileid.u32  }
0x57: {  	[tilespmem:s15], [sflag:$0x1] =	stream.linear.gather [hbm4b:s18+s3], $0x2800, $0x38;
	[tilespmem:$0x1FA80] =	vst v63  }
0x58: {  	s25 =	rddreg [dreg:$0xc];
	s11 =	sshll.u32 s24, $0x6  }
0x59: {  	[tilespmem:s4], [sflag:$0x2] =	stream.linear.gather [hbm4b:s19+s3], $0x50, $0x38;
	[tilespmem:$0x1FA80] =	vst v63  }
0x5a: {  	s10 =	sld [smem:$0x7FD];
	s16 =	sor.u32 $0x1C09, s11  }
0x5b: {  	[tilespmem:s26], [sflag:$0x2] =	stream.linear.gather [hbm4b:s20+s3], $0x2800, $0x38;
	[tilespmem:$0x1FA80] =	vst v63  }
.Ltmp2:
0x5c: {  	s18 =	sshrl.u32 s25, $0x3;
	[smem:$0x7FA] =	sst s16;
	(pc) =	sbr.rel @p0 .LBB2_3-.Ltmp2, $4  }
0x5d: {  	s13 =	sshrl.u32 @!p1 s10, $0x3;
	[smem:$0x7FB] =	sst s18  }
0x5e: {  	[tilespmem:s28], [sflag:$0x3] =	stream.linear.gather [hbm4b:s22+s3], $0x50, $0x38;
	[tilespmem:$0x1FA80] =	vst v63  }
0x5f: {  	[smem:$0x7F9] =	sst s13  }
0x60: {  	[tilespmem:s29], [sflag:$0x3] =	stream.linear.gather [hbm4b:s23+s3], $0x2800, $0x38;
	[tilespmem:$0x1FA80] =	vst v63  }
0x61: {  	s10 =	rddreg [dreg:$0xf]  }
0x62: {  	[spmem:s18], [sflag:s16] =	dma.local [hbm:s10], $0x2700  }
0x63: {  	_ =	swait.ge [sflag:s30], $0x2700  }
0x64: {  	s11 =	simm.s32 @!p1 $0x9;
	[sflag:s30] =	ssyncset.done $0x0  }
.Ltmp3:
0x65: {  	s10 =	rddreg [dreg:$0x10];
	[sflag:s30] =	ssyncadd.s32 $0xFFFFD900;
	(pc) =	sbr.rel .LBB2_6-.Ltmp3, $4  }
0x66: {  	[spmem:s13], [sflag:s16] =	dma.local @!p1 [hbm:s10], $0x100  }
0x67: {  	_ =	swait.ge @!p1 [sflag:s11], $0x100  }
0x68: {  	[sflag:s11] =	ssyncset.done @!p1 $0x0  }
0x69: {  	[sflag:s11] =	ssyncadd.s32 @!p1 $0xFFFFFF00  }
.LBB2_3:
0x6a: {  	s11 =	sand.u32 $0x7E00, s3  }
0x6b: {  	s13 =	sand.u32 $0x70, s3;
	s22 =	sshrl.u32 s11, $0x2  }
0x6c: {  	s11 =	simm.s32 $0x40;
	s22 =	sor.u32 s13, s22;
	s13 =	simm.s32 $0x0  }
.LBB2_4:
0x6d: {  	p2 =	sne.s32 s11, $0x7FC0  }
0x6e: {  	[tilespmem:s22+$0x1DA80] =	vst v0;
	s13 =	sadd.s32 $0x10, s13;
	s22 =	smov.u32 s11;
	s11 =	sadd.s32 $0x40, s11  }
.Ltmp4:
0x6f: {  	(pc) =	sbr.rel @p2 .LBB2_4-.Ltmp4, $4  }
0x70: {  	_ = 	snop  }
0x71: {  	s22 =	sand.u32 $0x7E00, s22  }
0x72: {  	s23 =	sand.u32 $0x70, s13;
	s22 =	sshrl.u32 s22, $0x2  }
0x73: {  	s22 =	sor.u32 s23, s22  }
0x74: {  	[tilespmem:s22+$0x1DA80] =	vst v0;
	s10 =	rddreg [dreg:$0xc];
	s11 =	simm.s32 $0x1DA80  }
0x75: {  	[spmem:s10] =	stream.linear.scatter [tilespmem:s11], [sflag:$0x9], $0x2000, $0x38;
	[tilespmem:$0x1FA80] =	vst v63  }
0x76: {  	_ =	swait.ge [sflag:s30], $0x2000  }
0x77: {  	[sflag:s30] =	ssyncset.done $0x0  }
0x78: {  	s13 =	rddreg [dreg:$0xd];
	[sflag:s30] =	ssyncadd.s32 $0xFFFFE000  }
0x79: {  	[spmem:s13] =	stream.linear.scatter [tilespmem:s11], [sflag:$0x9], $0x2000, $0x38;
	[tilespmem:$0x1FA80] =	vst v63  }
0x7a: {  	_ =	swait.ge [sflag:s30], $0x2000  }
0x7b: {  	[sflag:s30] =	ssyncset.done $0x0  }
0x7c: {  	s16 =	rddreg [dreg:$0xe];
	[sflag:s30] =	ssyncadd.s32 $0xFFFFE000  }
0x7d: {  	[spmem:s16] =	stream.linear.scatter [tilespmem:s11], [sflag:$0x9], $0x2000, $0x38;
	[tilespmem:$0x1FA80] =	vst v63  }
0x7e: {  	_ =	swait.ge [sflag:s30], $0x2000  }
0x7f: {  	[sflag:s30] =	ssyncset.done $0x0  }
0x80: {  	s18 =	rddreg [dreg:$0x1a];
	[sflag:s30] =	ssyncadd.s32 $0xFFFFE000  }
0x81: {  	[spmem:s18] =	stream.linear.scatter [tilespmem:s11], [sflag:$0x9], $0x2000, $0x38;
	[tilespmem:$0x1FA80] =	vst v63  }
0x82: {  	_ =	swait.ge [sflag:s30], $0x2000  }
0x83: {  	[sflag:s30] =	ssyncset.done $0x0  }
0x84: {  	s19 =	rddreg [dreg:$0x1b];
	[sflag:s30] =	ssyncadd.s32 $0xFFFFE000  }
0x85: {  	[spmem:s19] =	stream.linear.scatter [tilespmem:s11], [sflag:$0x9], $0x2000, $0x38;
	[tilespmem:$0x1FA80] =	vst v63  }
0x86: {  	_ =	swait.ge [sflag:s30], $0x2000  }
0x87: {  	[sflag:s30] =	ssyncset.done $0x0  }
0x88: {  	s20 =	rddreg [dreg:$0x1c];
	[sflag:s30] =	ssyncadd.s32 $0xFFFFE000  }
0x89: {  	[spmem:s20] =	stream.linear.scatter [tilespmem:s11], [sflag:$0x9], $0x2000, $0x38;
	[tilespmem:$0x1FA80] =	vst v63  }
0x8a: {  	_ =	swait.ge [sflag:s30], $0x2000  }
0x8b: {  	[sflag:s30] =	ssyncset.done $0x0  }
0x8c: {  	s22 =	rddreg [dreg:$0x1d];
	[sflag:s30] =	ssyncadd.s32 $0xFFFFE000  }
0x8d: {  	[spmem:s22] =	stream.linear.scatter [tilespmem:s11], [sflag:$0x9], $0x2000, $0x38;
	[tilespmem:$0x1FA80] =	vst v63  }
0x8e: {  	_ =	swait.ge [sflag:s30], $0x2000  }
0x8f: {  	[sflag:s30] =	ssyncset.done $0x0  }
0x90: {  	s23 =	rddreg [dreg:$0x1e];
	[sflag:s30] =	ssyncadd.s32 $0xFFFFE000  }
0x91: {  	[spmem:s23] =	stream.linear.scatter [tilespmem:s11], [sflag:$0x9], $0x2000, $0x38;
	[tilespmem:$0x1FA80] =	vst v63  }
0x92: {  	_ =	swait.ge [sflag:s30], $0x2000  }
0x93: {  	[sflag:s30] =	ssyncset.done $0x0  }
0x94: {  	s24 =	rddreg [dreg:$0x1f];
	[sflag:s30] =	ssyncadd.s32 $0xFFFFE000  }
0x95: {  	[spmem:s24] =	stream.linear.scatter [tilespmem:s11], [sflag:$0x9], $0x2000, $0x38;
	[tilespmem:$0x1FA80] =	vst v63  }
0x96: {  	_ =	swait.ge [sflag:s30], $0x2000  }
0x97: {  	s25 =	sld [smem:$0x7FC]  }
0x98: {  	[sflag:s30] =	ssyncset.done $0x0  }
0x99: {  	[sflag:s30] =	ssyncadd.s32 $0xFFFFE000  }
0x9a: {  	[spmem:s25] =	stream.linear.scatter [tilespmem:s11], [sflag:$0x9], $0x1800, $0x38;
	[tilespmem:$0x1FA80] =	vst v63  }
0x9b: {  	_ =	swait.ge [sflag:s30], $0x1800  }
0x9c: {  	s10 =	sld [smem:$0x7FD]  }
0x9d: {  	[sflag:s30] =	ssyncset.done $0x0  }
0x9e: {  	s11 =	simm.s32 @!p1 $0x1DA80;
	[sflag:s30] =	ssyncadd.s32 $0xFFFFE800  }
0x9f: {  	[spmem:s10] =	stream.linear.scatter @!p1 [tilespmem:s11], [sflag:$0x9], $0x800, $0x38;
	[tilespmem:$0x1FA80] =	vst v63  }
0xa0: {  	s11 =	simm.s32 @!p1 $0x9  }
0xa1: {  	_ =	swait.ge @!p1 [sflag:s11], $0x800  }
0xa2: {  	[sflag:s11] =	ssyncset.done @!p1 $0x0  }
0xa3: {  	[sflag:s11] =	ssyncadd.s32 @!p1 $0xFFFFF800  }
.LBB2_6:
0xa4: {  	[bflag:$0x0] =	sbarrier.arrive $0xFFFF  }
0xa5: {  	s25 =	rddreg [dreg:$0x19]  }
0xa6: {  	s24 =	rddreg [dreg:$0x18]  }
0xa7: {  	s23 =	rddreg [dreg:$0x17]  }
0xa8: {  	s22 =	simm.s32 $0x0;
	s13 =	rddreg [dreg:$0x16]  }
.LBB2_7:
0xa9: {  	_ =	swait.ge [sflag:s31], $0x50  }
0xaa: {  	[sflag:s31] =	ssyncset.done $0x0  }
0xab: {  	[sflag:s31] =	ssyncadd.s32 $0xFFFFFFB0  }
0xac: {  	_ =	swait.ge [sflag:s31], $0x2800  }
0xad: {  	p2 =	seq.s32 s22, $0x0;
	[sflag:s31] =	ssyncset.done $0x0  }
0xae: {  	s11 =	simm.s32 @!p2 $0x8;
	[sflag:s31] =	ssyncadd.s32 $0xFFFFD800  }
0xaf: {  	[spmem:s2] =	stream.indirect.scatter.add.f32 [tilespmem:s15], [sflag:$0x5], $0x80, s14, s0, $0xb8;
	[tilespmem:$0x1FA80] =	vst v63  }
0xb0: {  	_ =	swait.ge @!p2 [sflag:s11], $0x2800  }
0xb1: {  	[sflag:s11] =	ssyncset.done @!p2 $0x0  }
0xb2: {  	[sflag:s11] =	ssyncadd.s32 @!p2 $0xFFFFD800;
	s11 =	sadd.s32 s22, s21  }
0xb3: {  	[tilespmem:s12], [sflag:$0x4] =	stream.linear.gather [hbm4b:s25+s3], $0x50, $0x38;
	[tilespmem:$0x1FA80] =	vst v63  }
0xb4: {  	s10 =	sadd.s32 $0xF00, s11  }
0xb5: {  	[tilespmem:s5], [sflag:$0x4] =	stream.linear.gather [hbm4b:s10+s3], $0x2800, $0x38;
	[tilespmem:$0x1FA80] =	vst v63  }
0xb6: {  	_ =	swait.ge [sflag:s6], $0x50  }
0xb7: {  	[sflag:s6] =	ssyncset.done $0x0  }
0xb8: {  	[sflag:s6] =	ssyncadd.s32 $0xFFFFFFB0  }
0xb9: {  	_ =	swait.ge [sflag:s6], $0x2800  }
0xba: {  	[sflag:s6] =	ssyncset.done $0x0  }
0xbb: {  	[sflag:s6] =	ssyncadd.s32 $0xFFFFD800  }
0xbc: {  	[spmem:s2] =	stream.indirect.scatter.add.f32 [tilespmem:s26], [sflag:$0x6], $0x80, s4, s0, $0xb8;
	[tilespmem:$0x1FA80] =	vst v63  }
0xbd: {  	_ =	swait.ge [sflag:s7], $0x2800  }
0xbe: {  	p2 =	seq.s32 s22, $0x25800;
	[sflag:s7] =	ssyncset.done $0x0  }
0xbf: {  	s10 =	simm.s32 @p2 $0x3;
	[sflag:s7] =	ssyncadd.s32 $0xFFFFD800  }
0xc0: {  	_ =	swait.ge @p2 [sflag:s10], $0x50  }
0xc1: {  	[sflag:s10] =	ssyncset.done @p2 $0x0  }
0xc2: {  	[sflag:s10] =	ssyncadd.s32 @p2 $0xFFFFFFB0  }
0xc3: {  	_ =	swait.ge @p2 [sflag:s10], $0x2800  }
0xc4: {  	s16 =	simm.s32 @p2 $0x1D980;
	[sflag:s10] =	ssyncset.done @p2 $0x0  }
0xc5: {  	s18 =	simm.s32 @p2 $0x18880;
	[sflag:s10] =	ssyncadd.s32 @p2 $0xFFFFD800;
	s10 =	simm.s32 @p2 $0x50  }
0xc6: {  	[spmem:s2] =	stream.indirect.scatter.add.f32 @p2 [tilespmem:s18], [sflag:$0x7], $0x80, s16, s10, $0xb8;
	[tilespmem:$0x1FA80] =	vst v63  }
0xc7: {  	s10 =	simm.s32 @p2 $0x6  }
0xc8: {  	_ =	swait.ge @p2 [sflag:s10], $0x2800  }
0xc9: {  	[sflag:s10] =	ssyncset.done @p2 $0x0  }
0xca: {  	[sflag:s10] =	ssyncadd.s32 @p2 $0xFFFFD800;
	s10 =	sshrl.u32 @!p2 s24, $0x3  }
0xcb: {  	s16 =	simm.s32 @!p2 $0x0;
	s18 =	simm.s32 @!p2 $0x1D880;
	s10 =	sadd.s32 @!p2 s1, s10  }
0xcc: {  	[tilespmem:s18], [sflag:$0x1] =	stream.linear.gather @!p2 [hbm4b:s10+s16], $0x50, $0x38;
	[tilespmem:$0x1FA80] =	vst v63  }
0xcd: {  	s10 =	sadd.s32 @!p2 s22, s21  }
0xce: {  	s20 =	simm.s32 @!p2 $0x13880;
	s18 =	sadd.s32 @!p2 $0x1400, s10  }
0xcf: {  	[tilespmem:s20], [sflag:$0x1] =	stream.linear.gather @!p2 [hbm4b:s18+s16], $0x2800, $0x38;
	[tilespmem:$0x1FA80] =	vst v63  }
0xd0: {  	s18 =	simm.s32 @!p2 $0x3  }
0xd1: {  	_ =	swait.ge @!p2 [sflag:s18], $0x50  }
0xd2: {  	[sflag:s18] =	ssyncset.done @!p2 $0x0  }
0xd3: {  	[sflag:s18] =	ssyncadd.s32 @!p2 $0xFFFFFFB0  }
0xd4: {  	_ =	swait.ge @!p2 [sflag:s18], $0x2800  }
0xd5: {  	s19 =	simm.s32 @!p2 $0x18880;
	[sflag:s18] =	ssyncset.done @!p2 $0x0  }
0xd6: {  	s20 =	simm.s32 @!p2 $0x1D980;
	[sflag:s18] =	ssyncadd.s32 @!p2 $0xFFFFD800;
	s18 =	simm.s32 @!p2 $0x50  }
0xd7: {  	[spmem:s2] =	stream.indirect.scatter.add.f32 @!p2 [tilespmem:s19], [sflag:$0x7], $0x80, s20, s18, $0xb8;
	[tilespmem:$0x1FA80] =	vst v63  }
0xd8: {  	s18 =	simm.s32 @!p2 $0x6  }
0xd9: {  	_ =	swait.ge @!p2 [sflag:s18], $0x2800  }
0xda: {  	[sflag:s18] =	ssyncset.done @!p2 $0x0  }
0xdb: {  	[sflag:s18] =	ssyncadd.s32 @!p2 $0xFFFFD800;
	s18 =	simm.s32 @!p2 $0x1D900  }
0xdc: {  	[tilespmem:s18], [sflag:$0x2] =	stream.linear.gather @!p2 [hbm4b:s23+s16], $0x50, $0x38;
	[tilespmem:$0x1FA80] =	vst v63  }
0xdd: {  	s10 =	sadd.s32 @!p2 $0x1900, s10;
	s18 =	simm.s32 @!p2 $0x16080  }
0xde: {  	[tilespmem:s18], [sflag:$0x2] =	stream.linear.gather @!p2 [hbm4b:s10+s16], $0x2800, $0x38;
	[tilespmem:$0x1FA80] =	vst v63  }
0xdf: {  	_ =	swait.ge [sflag:s8], $0x50  }
0xe0: {  	[sflag:s8] =	ssyncset.done $0x0  }
0xe1: {  	[sflag:s8] =	ssyncadd.s32 $0xFFFFFFB0  }
0xe2: {  	_ =	swait.ge [sflag:s8], $0x2800  }
0xe3: {  	[sflag:s8] =	ssyncset.done $0x0  }
.Ltmp5:
0xe4: {  	[sflag:s8] =	ssyncadd.s32 $0xFFFFD800;
	(pc) =	sbr.rel @p2 .LBB2_9-.Ltmp5, $4  }
0xe5: {  	[spmem:s2] =	stream.indirect.scatter.add.f32 [tilespmem:s5], [sflag:$0x8], $0x80, s12, s0, $0xb8;
	[tilespmem:$0x1FA80] =	vst v63  }
0xe6: {  	_ =	swait.ge [sflag:s9], $0x2800  }
0xe7: {  	[sflag:s9] =	ssyncset.done $0x0  }
0xe8: {  	[sflag:s9] =	ssyncadd.s32 $0xFFFFD800  }
.Ltmp6:
0xe9: {  	(pc) =	sbr.rel .LBB2_7-.Ltmp6, $4  }
0xea: {  	[tilespmem:s28], [sflag:$0x3] =	stream.linear.gather [hbm4b:s13+s3], $0x50, $0x38;
	[tilespmem:$0x1FA80] =	vst v63  }
0xeb: {  	s10 =	sadd.s32 $0x1E00, s11;
	s22 =	sadd.s32 $0x1400, s22;
	s13 =	sadd.s32 $0x28, s13  }
0xec: {  	s23 =	sadd.s32 $0x28, s23;
	s24 =	sadd.s32 $0x140, s24;
	s25 =	sadd.s32 $0x28, s25  }
0xed: {  	[tilespmem:s29], [sflag:$0x3] =	stream.linear.gather [hbm4b:s10+s3], $0x2800, $0x38;
	[tilespmem:$0x1FA80] =	vst v63  }
.LBB2_10:
0xee: {  	_ =	sfence.sel $0x180000  }
0xef: {  	[bflag:$0x0] =	sbarrier.arrive $0xFFFF  }
0xf0: {  	_ =	strace $0x90000047  }
0xf1: {  	[bflag:$0x2] =	sbarrier.arrive $0xFFFF  }
0xf2: {  	s0 =	rddreg [dreg:$0x5]  }
0xf3: {  	s0 =	sadd.s32 @!p1 $0x100000, s0  }
0xf4: {  	[sflag:s0] =	ssyncadd.tile.s32 @!p1 $0x1;
	_ =	shalt  }
.Lfunc_end2:
_tile_overlayer_lowered:
.L_overlay_start_2:
0xf5: {  	(tag) =	ssettag $0x2  }
0xf6: {  	s0 =	rddreg [dreg:$0x0];
	s2 =	stileid.u32  }
0xf7: {  	s1 =	rddreg [dreg:$0x1];
	p0 =	sne.s32 s2, $0x0  }
0xf8: {  	s3 =	rddreg [dreg:$0x2];
	[bflag:$0x3] =	sbarrier.arrive $0xFFFF;
	s2 =	simm.s32 @!p0 $0x1C09  }
0xf9: {  	[timem:s3], [sflag:s2] =	dma.local @!p0 [hbm:s0], s1  }
0xfa: {  	s0 =	simm.s32 @!p0 $0x9  }
0xfb: {  	_ =	swait.ge @!p0 [sflag:s0], s1  }
0xfc: {  	s1 =	ssub.s32 @!p0 $0x0, s1;
	[sflag:s0] =	ssyncset.done @!p0 $0x0  }
0xfd: {  	[sflag:s0] =	ssyncadd.s32 @!p0 s1  }
0xfe: {  	[bflag:$0x3] =	sbarrier.arrive $0xFFFF  }
0xff: {  	_ =	shalt  }

</sc_bundles>
